<compile_context>
chip_gen: v7x
topology: tpu7x:2x2x1
jax: 0.10.2.dev20260603
libtpu: 0.0.44.dev20260713+nightly
codegen_flags: <defaults>
</compile_context>

<pallas_src>
import functools

import jax
import jax.numpy as jnp
from jax import lax
from jax.experimental import pallas as pl
from jax.experimental.pallas import tpu as pltpu
from jax.experimental.pallas import tpu_sc as plsc

NUM_BANDS = 1000
NUM_CHANNELS = 3276800

NC = 2
NS = 16
NW = NC * NS
L = 16

PER_W = NUM_CHANNELS // NW
NBUF = 4
CHUNK = 12800
N_CHUNKS = PER_W // CHUNK


def _gather_body(data_hbm, idx_hbm, out_hbm, table_v, idxb, outb, sin, sout):
    wid = lax.axis_index("s") * NC + lax.axis_index("c")
    base = wid * PER_W

    def start_in(g):
        b = g % NBUF
        return pltpu.async_copy(
            idx_hbm.at[pl.ds(base + g * CHUNK, CHUNK)], idxb[b], sin[b])

    hin = {g: start_in(g) for g in range(NBUF)}
    pltpu.sync_copy(data_hbm, table_v)

    hout = {}
    for g in range(N_CHUNKS):
        b = g % NBUF
        hin[g].wait()
        if g - NBUF >= 0:
            hout[g - NBUF].wait()

        ib, ob = idxb[b], outb[b]

        @plsc.parallel_loop(0, CHUNK, step=L, unroll=8)
        def _(i):
            ob[pl.ds(i, L)] = plsc.load_gather(table_v, [ib[pl.ds(i, L)]])

        hout[g] = pltpu.async_copy(
            ob, out_hbm.at[pl.ds(base + g * CHUNK, CHUNK)], sout[b])
        if g + NBUF < N_CHUNKS:
            hin[g + NBUF] = start_in(g + NBUF)

    for g in range(N_CHUNKS - NBUF, N_CHUNKS):
        hout[g].wait()


@functools.partial(
    pl.kernel,
    out_type=jax.ShapeDtypeStruct((NUM_CHANNELS,), jnp.float32),
    mesh=plsc.VectorSubcoreMesh(core_axis_name="c", subcore_axis_name="s"),
    scratch_types=(
        [pltpu.VMEM((NUM_BANDS,), jnp.float32)]
        + [pltpu.VMEM((CHUNK,), jnp.int32) for _ in range(NBUF)]
        + [pltpu.VMEM((CHUNK,), jnp.float32) for _ in range(NBUF)]
        + [pltpu.SemaphoreType.DMA for _ in range(2 * NBUF)]
    ),
    compiler_params=pltpu.CompilerParams(needs_layout_passes=False),
)
def _gather_call(data_hbm, idx_hbm, out_hbm, table_v, *rest):
    idxb = list(rest[0:NBUF])
    outb = list(rest[NBUF:2 * NBUF])
    sin = list(rest[2 * NBUF:3 * NBUF])
    sout = list(rest[3 * NBUF:4 * NBUF])
    _gather_body(data_hbm, idx_hbm, out_hbm, table_v, idxb, outb, sin, sout)


def kernel(data, channelindex):
    return _gather_call(data, channelindex.astype(jnp.int32))

# --- scband reference (transcript-rebuilt; emitter-appended) ---
"""Pipeline reference for scband-static-array-spectrum-2250562863395 (READ-ONLY COPY).

The authoritative reference and input builder live on the scoring server;
editing this copy changes nothing except your own understanding.
"""

import jax, jax.numpy as jnp
import numpy as np

NUM_BANDS = 1000
NUM_CHANNELS = 3276800


def setup_inputs(seed: int = 0) -> dict:
    key = jax.random.key(seed)
    k1, k2 = jax.random.split(key)
    # 'data' is the learned 1D spectrum parameter: one scalar per distinct band
    data = jax.random.normal(k1, (NUM_BANDS,), dtype=jnp.float32)
    # '_channelindex' is the static int map from every model-frame channel (band, epoch)
    # back into the band table; precomputed in __init__ from frame.channels
    channelindex = jax.random.randint(k2, (NUM_CHANNELS,), 0, NUM_BANDS, dtype=jnp.int64)
    return {"data": data, "channelindex": channelindex}


def reference(data, channelindex):
    # StaticArraySpectrum.__call__: return self.data[self._channelindex]
    # A pure embedding-style gather: scalar table row per channel.
    return jnp.take(data, channelindex, axis=0)

if __name__ == "__main__":
    import jax
    _d = setup_inputs()
    print(jax.jit(kernel)(*tuple(_d.values())))

</pallas_src>

<mosaic_0001>
#map = affine_map<(d0, d1) -> (0)>
module attributes {stable_mosaic.version = 14 : i64} {
  func.func @_gather_call(%arg0: i32, %arg1: i32, %arg2: memref<1000xf32, #tpu.memory_space<hbm>>, %arg3: memref<3276800xi32, #tpu.memory_space<hbm>>, %arg4: memref<3276800xf32, #tpu.memory_space<hbm>>, %arg5: memref<1000xf32, #tpu.memory_space<vmem>>, %arg6: memref<12800xi32, #tpu.memory_space<vmem>>, %arg7: memref<12800xi32, #tpu.memory_space<vmem>>, %arg8: memref<12800xi32, #tpu.memory_space<vmem>>, %arg9: memref<12800xi32, #tpu.memory_space<vmem>>, %arg10: memref<12800xf32, #tpu.memory_space<vmem>>, %arg11: memref<12800xf32, #tpu.memory_space<vmem>>, %arg12: memref<12800xf32, #tpu.memory_space<vmem>>, %arg13: memref<12800xf32, #tpu.memory_space<vmem>>, %arg14: memref<!tpu.dma_semaphore, #tpu.memory_space<semaphore_mem>>, %arg15: memref<!tpu.dma_semaphore, #tpu.memory_space<semaphore_mem>>, %arg16: memref<!tpu.dma_semaphore, #tpu.memory_space<semaphore_mem>>, %arg17: memref<!tpu.dma_semaphore, #tpu.memory_space<semaphore_mem>>, %arg18: memref<!tpu.dma_semaphore, #tpu.memory_space<semaphore_mem>>, %arg19: memref<!tpu.dma_semaphore, #tpu.memory_space<semaphore_mem>>, %arg20: memref<!tpu.dma_semaphore, #tpu.memory_space<semaphore_mem>>, %arg21: memref<!tpu.dma_semaphore, #tpu.memory_space<semaphore_mem>>) attributes {dimension_semantics = [#tpu.dimension_semantics<core_parallel>, #tpu.dimension_semantics<subcore_parallel>], iteration_bounds = array<i64: 2, 16>, scalar_prefetch = 0 : i64, scratch_operands = 17 : i64, tpu.core_type = #tpu.core_type<sc_vector_subcore>, window_params = [{transform_indices = #map}, {transform_indices = #map}, {transform_indices = #map}]} {
    %mul3A = arith.constant 2 : i32
    %mul3A_0 = arith.muli %arg1, %mul3A : i32
    %add3A = arith.addi %mul3A_0, %arg0 : i32
    %mul3A_1 = arith.constant 102400 : i32
    %mul3A_2 = arith.muli %add3A, %mul3A_1 : i32
    %add3A_3 = arith.constant 0 : i32
    %add3A_4 = arith.addi %mul3A_2, %add3A_3 : i32
    %dma_start3A = tpu.memref_slice %arg3[%add3A_4] : memref<3276800xi32, #tpu.memory_space<hbm>> -> memref<12800xi32, #tpu.memory_space<hbm>>
    %dma_start3A_5 = tpu.memref_slice %arg3[%add3A_4] : memref<3276800xi32, #tpu.memory_space<hbm>> -> memref<12800xi32, #tpu.memory_space<hbm>>
    tpu.enqueue_dma source(%dma_start3A_5 : memref<12800xi32, #tpu.memory_space<hbm>>) target(%arg6 : memref<12800xi32, #tpu.memory_space<vmem>>) target_semaphore(%arg14 : memref<!tpu.dma_semaphore, #tpu.memory_space<semaphore_mem>>)
    %add3A_6 = arith.constant 12800 : i32
    %add3A_7 = arith.addi %mul3A_2, %add3A_6 : i32
    %dma_start3A_8 = tpu.memref_slice %arg3[%add3A_7] : memref<3276800xi32, #tpu.memory_space<hbm>> -> memref<12800xi32, #tpu.memory_space<hbm>>
    %dma_start3A_9 = tpu.memref_slice %arg3[%add3A_7] : memref<3276800xi32, #tpu.memory_space<hbm>> -> memref<12800xi32, #tpu.memory_space<hbm>>
    tpu.enqueue_dma source(%dma_start3A_9 : memref<12800xi32, #tpu.memory_space<hbm>>) target(%arg7 : memref<12800xi32, #tpu.memory_space<vmem>>) target_semaphore(%arg15 : memref<!tpu.dma_semaphore, #tpu.memory_space<semaphore_mem>>)
    %add3A_10 = arith.constant 25600 : i32
    %add3A_11 = arith.addi %mul3A_2, %add3A_10 : i32
    %dma_start3A_12 = tpu.memref_slice %arg3[%add3A_11] : memref<3276800xi32, #tpu.memory_space<hbm>> -> memref<12800xi32, #tpu.memory_space<hbm>>
    %dma_start3A_13 = tpu.memref_slice %arg3[%add3A_11] : memref<3276800xi32, #tpu.memory_space<hbm>> -> memref<12800xi32, #tpu.memory_space<hbm>>
    tpu.enqueue_dma source(%dma_start3A_13 : memref<12800xi32, #tpu.memory_space<hbm>>) target(%arg8 : memref<12800xi32, #tpu.memory_space<vmem>>) target_semaphore(%arg16 : memref<!tpu.dma_semaphore, #tpu.memory_space<semaphore_mem>>)
    %add3A_14 = arith.constant 38400 : i32
    %add3A_15 = arith.addi %mul3A_2, %add3A_14 : i32
    %dma_start3A_16 = tpu.memref_slice %arg3[%add3A_15] : memref<3276800xi32, #tpu.memory_space<hbm>> -> memref<12800xi32, #tpu.memory_space<hbm>>
    %dma_start3A_17 = tpu.memref_slice %arg3[%add3A_15] : memref<3276800xi32, #tpu.memory_space<hbm>> -> memref<12800xi32, #tpu.memory_space<hbm>>
    tpu.enqueue_dma source(%dma_start3A_17 : memref<12800xi32, #tpu.memory_space<hbm>>) target(%arg9 : memref<12800xi32, #tpu.memory_space<vmem>>) target_semaphore(%arg17 : memref<!tpu.dma_semaphore, #tpu.memory_space<semaphore_mem>>)
    "tpu.region"() ({
      %run_scoped3A = tpu.sem_alloc : memref<!tpu.dma_semaphore, #tpu.memory_space<semaphore_mem>>
      tpu.enqueue_dma source(%arg2 : memref<1000xf32, #tpu.memory_space<hbm>>) target(%arg5 : memref<1000xf32, #tpu.memory_space<vmem>>) target_semaphore(%run_scoped3A : memref<!tpu.dma_semaphore, #tpu.memory_space<semaphore_mem>>)
      tpu.wait_dma2 semaphore(%run_scoped3A : memref<!tpu.dma_semaphore, #tpu.memory_space<semaphore_mem>>) src(%arg2 : memref<1000xf32, #tpu.memory_space<hbm>>) dst(%arg5 : memref<1000xf32, #tpu.memory_space<vmem>>)
      tpu.yield
    }) : () -> ()
    %dma_wait3A = tpu.memref_slice %arg3[%add3A_4] : memref<3276800xi32, #tpu.memory_space<hbm>> -> memref<12800xi32, #tpu.memory_space<hbm>>
    %dma_wait3A_18 = tpu.memref_slice %arg3[%add3A_4] : memref<3276800xi32, #tpu.memory_space<hbm>> -> memref<12800xi32, #tpu.memory_space<hbm>>
    tpu.wait_dma2 semaphore(%arg14 : memref<!tpu.dma_semaphore, #tpu.memory_space<semaphore_mem>>) src(%dma_wait3A_18 : memref<12800xi32, #tpu.memory_space<hbm>>) dst(%arg6 : memref<12800xi32, #tpu.memory_space<vmem>>)
    %parallel_loop3A = arith.constant 0 : i32
    %parallel_loop3A_19 = arith.constant 12800 : i32
    %parallel_loop3A_20 = arith.constant 16 : i32
    scf.for %parallel_loop3A_120 = %parallel_loop3A to %parallel_loop3A_19 step %parallel_loop3A_20  : i32 {
      %parallel_loop3A_121 = arith.index_cast %parallel_loop3A_120 : i32 to index
      %parallel_loop3A_122 = tpu.vector_load %arg6[%parallel_loop3A_121] {strides = array<i32>} : memref<12800xi32, #tpu.memory_space<vmem>>, vector<16xi32>,
      %parallel_loop3A_123 = tpu.vector_load_idx %arg5[%parallel_loop3A_122] : memref<1000xf32, #tpu.memory_space<vmem>>[vector<16xi32>], vector<16xf32>,
      %parallel_loop3A_124 = arith.index_cast %parallel_loop3A_120 : i32 to index
      %parallel_loop3A_125 = tpu.vector_load %arg10[%parallel_loop3A_124] {strides = array<i32>} : memref<12800xf32, #tpu.memory_space<vmem>>, vector<16xf32>,
      tpu.vector_store %arg10[%parallel_loop3A_124], %parallel_loop3A_123 {strides = array<i32>} : memref<12800xf32, #tpu.memory_space<vmem>>, vector<16xf32>,
    } {sc.loop_unroll_factor = 8 : i64, sc.parallel_access}
    %add3A_21 = arith.constant 0 : i32
    %add3A_22 = arith.addi %mul3A_2, %add3A_21 : i32
    %dma_start3A_23 = tpu.memref_slice %arg4[%add3A_22] : memref<3276800xf32, #tpu.memory_space<hbm>> -> memref<12800xf32, #tpu.memory_space<hbm>>
    %dma_start3A_24 = tpu.memref_slice %arg4[%add3A_22] : memref<3276800xf32, #tpu.memory_space<hbm>> -> memref<12800xf32, #tpu.memory_space<hbm>>
    tpu.enqueue_dma source(%arg10 : memref<12800xf32, #tpu.memory_space<vmem>>) target(%dma_start3A_24 : memref<12800xf32, #tpu.memory_space<hbm>>) target_semaphore(%arg18 : memref<!tpu.dma_semaphore, #tpu.memory_space<semaphore_mem>>)
    %add3A_25 = arith.constant 51200 : i32
    %add3A_26 = arith.addi %mul3A_2, %add3A_25 : i32
    %dma_start3A_27 = tpu.memref_slice %arg3[%add3A_26] : memref<3276800xi32, #tpu.memory_space<hbm>> -> memref<12800xi32, #tpu.memory_space<hbm>>
    %dma_start3A_28 = tpu.memref_slice %arg3[%add3A_26] : memref<3276800xi32, #tpu.memory_space<hbm>> -> memref<12800xi32, #tpu.memory_space<hbm>>
    tpu.enqueue_dma source(%dma_start3A_28 : memref<12800xi32, #tpu.memory_space<hbm>>) target(%arg6 : memref<12800xi32, #tpu.memory_space<vmem>>) target_semaphore(%arg14 : memref<!tpu.dma_semaphore, #tpu.memory_space<semaphore_mem>>)
    %dma_wait3A_29 = tpu.memref_slice %arg3[%add3A_7] : memref<3276800xi32, #tpu.memory_space<hbm>> -> memref<12800xi32, #tpu.memory_space<hbm>>
    %dma_wait3A_30 = tpu.memref_slice %arg3[%add3A_7] : memref<3276800xi32, #tpu.memory_space<hbm>> -> memref<12800xi32, #tpu.memory_space<hbm>>
    tpu.wait_dma2 semaphore(%arg15 : memref<!tpu.dma_semaphore, #tpu.memory_space<semaphore_mem>>) src(%dma_wait3A_30 : memref<12800xi32, #tpu.memory_space<hbm>>) dst(%arg7 : memref<12800xi32, #tpu.memory_space<vmem>>)
    %parallel_loop3A_31 = arith.constant 0 : i32
    %parallel_loop3A_32 = arith.constant 12800 : i32
    %parallel_loop3A_33 = arith.constant 16 : i32
    scf.for %parallel_loop3A_120 = %parallel_loop3A_31 to %parallel_loop3A_32 step %parallel_loop3A_33  : i32 {
      %parallel_loop3A_121 = arith.index_cast %parallel_loop3A_120 : i32 to index
      %parallel_loop3A_122 = tpu.vector_load %arg7[%parallel_loop3A_121] {strides = array<i32>} : memref<12800xi32, #tpu.memory_space<vmem>>, vector<16xi32>,
      %parallel_loop3A_123 = tpu.vector_load_idx %arg5[%parallel_loop3A_122] : memref<1000xf32, #tpu.memory_space<vmem>>[vector<16xi32>], vector<16xf32>,
      %parallel_loop3A_124 = arith.index_cast %parallel_loop3A_120 : i32 to index
      %parallel_loop3A_125 = tpu.vector_load %arg11[%parallel_loop3A_124] {strides = array<i32>} : memref<12800xf32, #tpu.memory_space<vmem>>, vector<16xf32>,
      tpu.vector_store %arg11[%parallel_loop3A_124], %parallel_loop3A_123 {strides = array<i32>} : memref<12800xf32, #tpu.memory_space<vmem>>, vector<16xf32>,
    } {sc.loop_unroll_factor = 8 : i64, sc.parallel_access}
    %add3A_34 = arith.constant 12800 : i32
    %add3A_35 = arith.addi %mul3A_2, %add3A_34 : i32
    %dma_start3A_36 = tpu.memref_slice %arg4[%add3A_35] : memref<3276800xf32, #tpu.memory_space<hbm>> -> memref<12800xf32, #tpu.memory_space<hbm>>
    %dma_start3A_37 = tpu.memref_slice %arg4[%add3A_35] : memref<3276800xf32, #tpu.memory_space<hbm>> -> memref<12800xf32, #tpu.memory_space<hbm>>
    tpu.enqueue_dma source(%arg11 : memref<12800xf32, #tpu.memory_space<vmem>>) target(%dma_start3A_37 : memref<12800xf32, #tpu.memory_space<hbm>>) target_semaphore(%arg19 : memref<!tpu.dma_semaphore, #tpu.memory_space<semaphore_mem>>)
    %add3A_38 = arith.constant 64000 : i32
    %add3A_39 = arith.addi %mul3A_2, %add3A_38 : i32
    %dma_start3A_40 = tpu.memref_slice %arg3[%add3A_39] : memref<3276800xi32, #tpu.memory_space<hbm>> -> memref<12800xi32, #tpu.memory_space<hbm>>
    %dma_start3A_41 = tpu.memref_slice %arg3[%add3A_39] : memref<3276800xi32, #tpu.memory_space<hbm>> -> memref<12800xi32, #tpu.memory_space<hbm>>
    tpu.enqueue_dma source(%dma_start3A_41 : memref<12800xi32, #tpu.memory_space<hbm>>) target(%arg7 : memref<12800xi32, #tpu.memory_space<vmem>>) target_semaphore(%arg15 : memref<!tpu.dma_semaphore, #tpu.memory_space<semaphore_mem>>)
    %dma_wait3A_42 = tpu.memref_slice %arg3[%add3A_11] : memref<3276800xi32, #tpu.memory_space<hbm>> -> memref<12800xi32, #tpu.memory_space<hbm>>
    %dma_wait3A_43 = tpu.memref_slice %arg3[%add3A_11] : memref<3276800xi32, #tpu.memory_space<hbm>> -> memref<12800xi32, #tpu.memory_space<hbm>>
    tpu.wait_dma2 semaphore(%arg16 : memref<!tpu.dma_semaphore, #tpu.memory_space<semaphore_mem>>) src(%dma_wait3A_43 : memref<12800xi32, #tpu.memory_space<hbm>>) dst(%arg8 : memref<12800xi32, #tpu.memory_space<vmem>>)
    %parallel_loop3A_44 = arith.constant 0 : i32
    %parallel_loop3A_45 = arith.constant 12800 : i32
    %parallel_loop3A_46 = arith.constant 16 : i32
    scf.for %parallel_loop3A_120 = %parallel_loop3A_44 to %parallel_loop3A_45 step %parallel_loop3A_46  : i32 {
      %parallel_loop3A_121 = arith.index_cast %parallel_loop3A_120 : i32 to index
      %parallel_loop3A_122 = tpu.vector_load %arg8[%parallel_loop3A_121] {strides = array<i32>} : memref<12800xi32, #tpu.memory_space<vmem>>, vector<16xi32>,
      %parallel_loop3A_123 = tpu.vector_load_idx %arg5[%parallel_loop3A_122] : memref<1000xf32, #tpu.memory_space<vmem>>[vector<16xi32>], vector<16xf32>,
      %parallel_loop3A_124 = arith.index_cast %parallel_loop3A_120 : i32 to index
      %parallel_loop3A_125 = tpu.vector_load %arg12[%parallel_loop3A_124] {strides = array<i32>} : memref<12800xf32, #tpu.memory_space<vmem>>, vector<16xf32>,
      tpu.vector_store %arg12[%parallel_loop3A_124], %parallel_loop3A_123 {strides = array<i32>} : memref<12800xf32, #tpu.memory_space<vmem>>, vector<16xf32>,
    } {sc.loop_unroll_factor = 8 : i64, sc.parallel_access}
    %add3A_47 = arith.constant 25600 : i32
    %add3A_48 = arith.addi %mul3A_2, %add3A_47 : i32
    %dma_start3A_49 = tpu.memref_slice %arg4[%add3A_48] : memref<3276800xf32, #tpu.memory_space<hbm>> -> memref<12800xf32, #tpu.memory_space<hbm>>
    %dma_start3A_50 = tpu.memref_slice %arg4[%add3A_48] : memref<3276800xf32, #tpu.memory_space<hbm>> -> memref<12800xf32, #tpu.memory_space<hbm>>
    tpu.enqueue_dma source(%arg12 : memref<12800xf32, #tpu.memory_space<vmem>>) target(%dma_start3A_50 : memref<12800xf32, #tpu.memory_space<hbm>>) target_semaphore(%arg20 : memref<!tpu.dma_semaphore, #tpu.memory_space<semaphore_mem>>)
    %add3A_51 = arith.constant 76800 : i32
    %add3A_52 = arith.addi %mul3A_2, %add3A_51 : i32
    %dma_start3A_53 = tpu.memref_slice %arg3[%add3A_52] : memref<3276800xi32, #tpu.memory_space<hbm>> -> memref<12800xi32, #tpu.memory_space<hbm>>
    %dma_start3A_54 = tpu.memref_slice %arg3[%add3A_52] : memref<3276800xi32, #tpu.memory_space<hbm>> -> memref<12800xi32, #tpu.memory_space<hbm>>
    tpu.enqueue_dma source(%dma_start3A_54 : memref<12800xi32, #tpu.memory_space<hbm>>) target(%arg8 : memref<12800xi32, #tpu.memory_space<vmem>>) target_semaphore(%arg16 : memref<!tpu.dma_semaphore, #tpu.memory_space<semaphore_mem>>)
    %dma_wait3A_55 = tpu.memref_slice %arg3[%add3A_15] : memref<3276800xi32, #tpu.memory_space<hbm>> -> memref<12800xi32, #tpu.memory_space<hbm>>
    %dma_wait3A_56 = tpu.memref_slice %arg3[%add3A_15] : memref<3276800xi32, #tpu.memory_space<hbm>> -> memref<12800xi32, #tpu.memory_space<hbm>>
    tpu.wait_dma2 semaphore(%arg17 : memref<!tpu.dma_semaphore, #tpu.memory_space<semaphore_mem>>) src(%dma_wait3A_56 : memref<12800xi32, #tpu.memory_space<hbm>>) dst(%arg9 : memref<12800xi32, #tpu.memory_space<vmem>>)
    %parallel_loop3A_57 = arith.constant 0 : i32
    %parallel_loop3A_58 = arith.constant 12800 : i32
    %parallel_loop3A_59 = arith.constant 16 : i32
    scf.for %parallel_loop3A_120 = %parallel_loop3A_57 to %parallel_loop3A_58 step %parallel_loop3A_59  : i32 {
      %parallel_loop3A_121 = arith.index_cast %parallel_loop3A_120 : i32 to index
      %parallel_loop3A_122 = tpu.vector_load %arg9[%parallel_loop3A_121] {strides = array<i32>} : memref<12800xi32, #tpu.memory_space<vmem>>, vector<16xi32>,
      %parallel_loop3A_123 = tpu.vector_load_idx %arg5[%parallel_loop3A_122] : memref<1000xf32, #tpu.memory_space<vmem>>[vector<16xi32>], vector<16xf32>,
      %parallel_loop3A_124 = arith.index_cast %parallel_loop3A_120 : i32 to index
      %parallel_loop3A_125 = tpu.vector_load %arg13[%parallel_loop3A_124] {strides = array<i32>} : memref<12800xf32, #tpu.memory_space<vmem>>, vector<16xf32>,
      tpu.vector_store %arg13[%parallel_loop3A_124], %parallel_loop3A_123 {strides = array<i32>} : memref<12800xf32, #tpu.memory_space<vmem>>, vector<16xf32>,
    } {sc.loop_unroll_factor = 8 : i64, sc.parallel_access}
    %add3A_60 = arith.constant 38400 : i32
    %add3A_61 = arith.addi %mul3A_2, %add3A_60 : i32
    %dma_start3A_62 = tpu.memref_slice %arg4[%add3A_61] : memref<3276800xf32, #tpu.memory_space<hbm>> -> memref<12800xf32, #tpu.memory_space<hbm>>
    %dma_start3A_63 = tpu.memref_slice %arg4[%add3A_61] : memref<3276800xf32, #tpu.memory_space<hbm>> -> memref<12800xf32, #tpu.memory_space<hbm>>
    tpu.enqueue_dma source(%arg13 : memref<12800xf32, #tpu.memory_space<vmem>>) target(%dma_start3A_63 : memref<12800xf32, #tpu.memory_space<hbm>>) target_semaphore(%arg21 : memref<!tpu.dma_semaphore, #tpu.memory_space<semaphore_mem>>)
    %add3A_64 = arith.constant 89600 : i32
    %add3A_65 = arith.addi %mul3A_2, %add3A_64 : i32
    %dma_start3A_66 = tpu.memref_slice %arg3[%add3A_65] : memref<3276800xi32, #tpu.memory_space<hbm>> -> memref<12800xi32, #tpu.memory_space<hbm>>
    %dma_start3A_67 = tpu.memref_slice %arg3[%add3A_65] : memref<3276800xi32, #tpu.memory_space<hbm>> -> memref<12800xi32, #tpu.memory_space<hbm>>
    tpu.enqueue_dma source(%dma_start3A_67 : memref<12800xi32, #tpu.memory_space<hbm>>) target(%arg9 : memref<12800xi32, #tpu.memory_space<vmem>>) target_semaphore(%arg17 : memref<!tpu.dma_semaphore, #tpu.memory_space<semaphore_mem>>)
    %dma_wait3A_68 = tpu.memref_slice %arg3[%add3A_26] : memref<3276800xi32, #tpu.memory_space<hbm>> -> memref<12800xi32, #tpu.memory_space<hbm>>
    %dma_wait3A_69 = tpu.memref_slice %arg3[%add3A_26] : memref<3276800xi32, #tpu.memory_space<hbm>> -> memref<12800xi32, #tpu.memory_space<hbm>>
    tpu.wait_dma2 semaphore(%arg14 : memref<!tpu.dma_semaphore, #tpu.memory_space<semaphore_mem>>) src(%dma_wait3A_69 : memref<12800xi32, #tpu.memory_space<hbm>>) dst(%arg6 : memref<12800xi32, #tpu.memory_space<vmem>>)
    %dma_wait3A_70 = tpu.memref_slice %arg4[%add3A_22] : memref<3276800xf32, #tpu.memory_space<hbm>> -> memref<12800xf32, #tpu.memory_space<hbm>>
    %dma_wait3A_71 = tpu.memref_slice %arg4[%add3A_22] : memref<3276800xf32, #tpu.memory_space<hbm>> -> memref<12800xf32, #tpu.memory_space<hbm>>
    tpu.wait_dma2 semaphore(%arg18 : memref<!tpu.dma_semaphore, #tpu.memory_space<semaphore_mem>>) src(%arg10 : memref<12800xf32, #tpu.memory_space<vmem>>) dst(%dma_wait3A_71 : memref<12800xf32, #tpu.memory_space<hbm>>)
    %parallel_loop3A_72 = arith.constant 0 : i32
    %parallel_loop3A_73 = arith.constant 12800 : i32
    %parallel_loop3A_74 = arith.constant 16 : i32
    scf.for %parallel_loop3A_120 = %parallel_loop3A_72 to %parallel_loop3A_73 step %parallel_loop3A_74  : i32 {
      %parallel_loop3A_121 = arith.index_cast %parallel_loop3A_120 : i32 to index
      %parallel_loop3A_122 = tpu.vector_load %arg6[%parallel_loop3A_121] {strides = array<i32>} : memref<12800xi32, #tpu.memory_space<vmem>>, vector<16xi32>,
      %parallel_loop3A_123 = tpu.vector_load_idx %arg5[%parallel_loop3A_122] : memref<1000xf32, #tpu.memory_space<vmem>>[vector<16xi32>], vector<16xf32>,
      %parallel_loop3A_124 = arith.index_cast %parallel_loop3A_120 : i32 to index
      %parallel_loop3A_125 = tpu.vector_load %arg10[%parallel_loop3A_124] {strides = array<i32>} : memref<12800xf32, #tpu.memory_space<vmem>>, vector<16xf32>,
      tpu.vector_store %arg10[%parallel_loop3A_124], %parallel_loop3A_123 {strides = array<i32>} : memref<12800xf32, #tpu.memory_space<vmem>>, vector<16xf32>,
    } {sc.loop_unroll_factor = 8 : i64, sc.parallel_access}
    %add3A_75 = arith.constant 51200 : i32
    %add3A_76 = arith.addi %mul3A_2, %add3A_75 : i32
    %dma_start3A_77 = tpu.memref_slice %arg4[%add3A_76] : memref<3276800xf32, #tpu.memory_space<hbm>> -> memref<12800xf32, #tpu.memory_space<hbm>>
    %dma_start3A_78 = tpu.memref_slice %arg4[%add3A_76] : memref<3276800xf32, #tpu.memory_space<hbm>> -> memref<12800xf32, #tpu.memory_space<hbm>>
    tpu.enqueue_dma source(%arg10 : memref<12800xf32, #tpu.memory_space<vmem>>) target(%dma_start3A_78 : memref<12800xf32, #tpu.memory_space<hbm>>) target_semaphore(%arg18 : memref<!tpu.dma_semaphore, #tpu.memory_space<semaphore_mem>>)
    %dma_wait3A_79 = tpu.memref_slice %arg3[%add3A_39] : memref<3276800xi32, #tpu.memory_space<hbm>> -> memref<12800xi32, #tpu.memory_space<hbm>>
    %dma_wait3A_80 = tpu.memref_slice %arg3[%add3A_39] : memref<3276800xi32, #tpu.memory_space<hbm>> -> memref<12800xi32, #tpu.memory_space<hbm>>
    tpu.wait_dma2 semaphore(%arg15 : memref<!tpu.dma_semaphore, #tpu.memory_space<semaphore_mem>>) src(%dma_wait3A_80 : memref<12800xi32, #tpu.memory_space<hbm>>) dst(%arg7 : memref<12800xi32, #tpu.memory_space<vmem>>)
    %dma_wait3A_81 = tpu.memref_slice %arg4[%add3A_35] : memref<3276800xf32, #tpu.memory_space<hbm>> -> memref<12800xf32, #tpu.memory_space<hbm>>
    %dma_wait3A_82 = tpu.memref_slice %arg4[%add3A_35] : memref<3276800xf32, #tpu.memory_space<hbm>> -> memref<12800xf32, #tpu.memory_space<hbm>>
    tpu.wait_dma2 semaphore(%arg19 : memref<!tpu.dma_semaphore, #tpu.memory_space<semaphore_mem>>) src(%arg11 : memref<12800xf32, #tpu.memory_space<vmem>>) dst(%dma_wait3A_82 : memref<12800xf32, #tpu.memory_space<hbm>>)
    %parallel_loop3A_83 = arith.constant 0 : i32
    %parallel_loop3A_84 = arith.constant 12800 : i32
    %parallel_loop3A_85 = arith.constant 16 : i32
    scf.for %parallel_loop3A_120 = %parallel_loop3A_83 to %parallel_loop3A_84 step %parallel_loop3A_85  : i32 {
      %parallel_loop3A_121 = arith.index_cast %parallel_loop3A_120 : i32 to index
      %parallel_loop3A_122 = tpu.vector_load %arg7[%parallel_loop3A_121] {strides = array<i32>} : memref<12800xi32, #tpu.memory_space<vmem>>, vector<16xi32>,
      %parallel_loop3A_123 = tpu.vector_load_idx %arg5[%parallel_loop3A_122] : memref<1000xf32, #tpu.memory_space<vmem>>[vector<16xi32>], vector<16xf32>,
      %parallel_loop3A_124 = arith.index_cast %parallel_loop3A_120 : i32 to index
      %parallel_loop3A_125 = tpu.vector_load %arg11[%parallel_loop3A_124] {strides = array<i32>} : memref<12800xf32, #tpu.memory_space<vmem>>, vector<16xf32>,
      tpu.vector_store %arg11[%parallel_loop3A_124], %parallel_loop3A_123 {strides = array<i32>} : memref<12800xf32, #tpu.memory_space<vmem>>, vector<16xf32>,
    } {sc.loop_unroll_factor = 8 : i64, sc.parallel_access}
    %add3A_86 = arith.constant 64000 : i32
    %add3A_87 = arith.addi %mul3A_2, %add3A_86 : i32
    %dma_start3A_88 = tpu.memref_slice %arg4[%add3A_87] : memref<3276800xf32, #tpu.memory_space<hbm>> -> memref<12800xf32, #tpu.memory_space<hbm>>
    %dma_start3A_89 = tpu.memref_slice %arg4[%add3A_87] : memref<3276800xf32, #tpu.memory_space<hbm>> -> memref<12800xf32, #tpu.memory_space<hbm>>
    tpu.enqueue_dma source(%arg11 : memref<12800xf32, #tpu.memory_space<vmem>>) target(%dma_start3A_89 : memref<12800xf32, #tpu.memory_space<hbm>>) target_semaphore(%arg19 : memref<!tpu.dma_semaphore, #tpu.memory_space<semaphore_mem>>)
    %dma_wait3A_90 = tpu.memref_slice %arg3[%add3A_52] : memref<3276800xi32, #tpu.memory_space<hbm>> -> memref<12800xi32, #tpu.memory_space<hbm>>
    %dma_wait3A_91 = tpu.memref_slice %arg3[%add3A_52] : memref<3276800xi32, #tpu.memory_space<hbm>> -> memref<12800xi32, #tpu.memory_space<hbm>>
    tpu.wait_dma2 semaphore(%arg16 : memref<!tpu.dma_semaphore, #tpu.memory_space<semaphore_mem>>) src(%dma_wait3A_91 : memref<12800xi32, #tpu.memory_space<hbm>>) dst(%arg8 : memref<12800xi32, #tpu.memory_space<vmem>>)
    %dma_wait3A_92 = tpu.memref_slice %arg4[%add3A_48] : memref<3276800xf32, #tpu.memory_space<hbm>> -> memref<12800xf32, #tpu.memory_space<hbm>>
    %dma_wait3A_93 = tpu.memref_slice %arg4[%add3A_48] : memref<3276800xf32, #tpu.memory_space<hbm>> -> memref<12800xf32, #tpu.memory_space<hbm>>
    tpu.wait_dma2 semaphore(%arg20 : memref<!tpu.dma_semaphore, #tpu.memory_space<semaphore_mem>>) src(%arg12 : memref<12800xf32, #tpu.memory_space<vmem>>) dst(%dma_wait3A_93 : memref<12800xf32, #tpu.memory_space<hbm>>)
    %parallel_loop3A_94 = arith.constant 0 : i32
    %parallel_loop3A_95 = arith.constant 12800 : i32
    %parallel_loop3A_96 = arith.constant 16 : i32
    scf.for %parallel_loop3A_120 = %parallel_loop3A_94 to %parallel_loop3A_95 step %parallel_loop3A_96  : i32 {
      %parallel_loop3A_121 = arith.index_cast %parallel_loop3A_120 : i32 to index
      %parallel_loop3A_122 = tpu.vector_load %arg8[%parallel_loop3A_121] {strides = array<i32>} : memref<12800xi32, #tpu.memory_space<vmem>>, vector<16xi32>,
      %parallel_loop3A_123 = tpu.vector_load_idx %arg5[%parallel_loop3A_122] : memref<1000xf32, #tpu.memory_space<vmem>>[vector<16xi32>], vector<16xf32>,
      %parallel_loop3A_124 = arith.index_cast %parallel_loop3A_120 : i32 to index
      %parallel_loop3A_125 = tpu.vector_load %arg12[%parallel_loop3A_124] {strides = array<i32>} : memref<12800xf32, #tpu.memory_space<vmem>>, vector<16xf32>,
      tpu.vector_store %arg12[%parallel_loop3A_124], %parallel_loop3A_123 {strides = array<i32>} : memref<12800xf32, #tpu.memory_space<vmem>>, vector<16xf32>,
    } {sc.loop_unroll_factor = 8 : i64, sc.parallel_access}
    %add3A_97 = arith.constant 76800 : i32
    %add3A_98 = arith.addi %mul3A_2, %add3A_97 : i32
    %dma_start3A_99 = tpu.memref_slice %arg4[%add3A_98] : memref<3276800xf32, #tpu.memory_space<hbm>> -> memref<12800xf32, #tpu.memory_space<hbm>>
    %dma_start3A_100 = tpu.memref_slice %arg4[%add3A_98] : memref<3276800xf32, #tpu.memory_space<hbm>> -> memref<12800xf32, #tpu.memory_space<hbm>>
    tpu.enqueue_dma source(%arg12 : memref<12800xf32, #tpu.memory_space<vmem>>) target(%dma_start3A_100 : memref<12800xf32, #tpu.memory_space<hbm>>) target_semaphore(%arg20 : memref<!tpu.dma_semaphore, #tpu.memory_space<semaphore_mem>>)
    %dma_wait3A_101 = tpu.memref_slice %arg3[%add3A_65] : memref<3276800xi32, #tpu.memory_space<hbm>> -> memref<12800xi32, #tpu.memory_space<hbm>>
    %dma_wait3A_102 = tpu.memref_slice %arg3[%add3A_65] : memref<3276800xi32, #tpu.memory_space<hbm>> -> memref<12800xi32, #tpu.memory_space<hbm>>
    tpu.wait_dma2 semaphore(%arg17 : memref<!tpu.dma_semaphore, #tpu.memory_space<semaphore_mem>>) src(%dma_wait3A_102 : memref<12800xi32, #tpu.memory_space<hbm>>) dst(%arg9 : memref<12800xi32, #tpu.memory_space<vmem>>)
    %dma_wait3A_103 = tpu.memref_slice %arg4[%add3A_61] : memref<3276800xf32, #tpu.memory_space<hbm>> -> memref<12800xf32, #tpu.memory_space<hbm>>
    %dma_wait3A_104 = tpu.memref_slice %arg4[%add3A_61] : memref<3276800xf32, #tpu.memory_space<hbm>> -> memref<12800xf32, #tpu.memory_space<hbm>>
    tpu.wait_dma2 semaphore(%arg21 : memref<!tpu.dma_semaphore, #tpu.memory_space<semaphore_mem>>) src(%arg13 : memref<12800xf32, #tpu.memory_space<vmem>>) dst(%dma_wait3A_104 : memref<12800xf32, #tpu.memory_space<hbm>>)
    %parallel_loop3A_105 = arith.constant 0 : i32
    %parallel_loop3A_106 = arith.constant 12800 : i32
    %parallel_loop3A_107 = arith.constant 16 : i32
    scf.for %parallel_loop3A_120 = %parallel_loop3A_105 to %parallel_loop3A_106 step %parallel_loop3A_107  : i32 {
      %parallel_loop3A_121 = arith.index_cast %parallel_loop3A_120 : i32 to index
      %parallel_loop3A_122 = tpu.vector_load %arg9[%parallel_loop3A_121] {strides = array<i32>} : memref<12800xi32, #tpu.memory_space<vmem>>, vector<16xi32>,
      %parallel_loop3A_123 = tpu.vector_load_idx %arg5[%parallel_loop3A_122] : memref<1000xf32, #tpu.memory_space<vmem>>[vector<16xi32>], vector<16xf32>,
      %parallel_loop3A_124 = arith.index_cast %parallel_loop3A_120 : i32 to index
      %parallel_loop3A_125 = tpu.vector_load %arg13[%parallel_loop3A_124] {strides = array<i32>} : memref<12800xf32, #tpu.memory_space<vmem>>, vector<16xf32>,
      tpu.vector_store %arg13[%parallel_loop3A_124], %parallel_loop3A_123 {strides = array<i32>} : memref<12800xf32, #tpu.memory_space<vmem>>, vector<16xf32>,
    } {sc.loop_unroll_factor = 8 : i64, sc.parallel_access}
    %add3A_108 = arith.constant 89600 : i32
    %add3A_109 = arith.addi %mul3A_2, %add3A_108 : i32
    %dma_start3A_110 = tpu.memref_slice %arg4[%add3A_109] : memref<3276800xf32, #tpu.memory_space<hbm>> -> memref<12800xf32, #tpu.memory_space<hbm>>
    %dma_start3A_111 = tpu.memref_slice %arg4[%add3A_109] : memref<3276800xf32, #tpu.memory_space<hbm>> -> memref<12800xf32, #tpu.memory_space<hbm>>
    tpu.enqueue_dma source(%arg13 : memref<12800xf32, #tpu.memory_space<vmem>>) target(%dma_start3A_111 : memref<12800xf32, #tpu.memory_space<hbm>>) target_semaphore(%arg21 : memref<!tpu.dma_semaphore, #tpu.memory_space<semaphore_mem>>)
    %dma_wait3A_112 = tpu.memref_slice %arg4[%add3A_76] : memref<3276800xf32, #tpu.memory_space<hbm>> -> memref<12800xf32, #tpu.memory_space<hbm>>
    %dma_wait3A_113 = tpu.memref_slice %arg4[%add3A_76] : memref<3276800xf32, #tpu.memory_space<hbm>> -> memref<12800xf32, #tpu.memory_space<hbm>>
    tpu.wait_dma2 semaphore(%arg18 : memref<!tpu.dma_semaphore, #tpu.memory_space<semaphore_mem>>) src(%arg10 : memref<12800xf32, #tpu.memory_space<vmem>>) dst(%dma_wait3A_113 : memref<12800xf32, #tpu.memory_space<hbm>>)
    %dma_wait3A_114 = tpu.memref_slice %arg4[%add3A_87] : memref<3276800xf32, #tpu.memory_space<hbm>> -> memref<12800xf32, #tpu.memory_space<hbm>>
    %dma_wait3A_115 = tpu.memref_slice %arg4[%add3A_87] : memref<3276800xf32, #tpu.memory_space<hbm>> -> memref<12800xf32, #tpu.memory_space<hbm>>
    tpu.wait_dma2 semaphore(%arg19 : memref<!tpu.dma_semaphore, #tpu.memory_space<semaphore_mem>>) src(%arg11 : memref<12800xf32, #tpu.memory_space<vmem>>) dst(%dma_wait3A_115 : memref<12800xf32, #tpu.memory_space<hbm>>)
    %dma_wait3A_116 = tpu.memref_slice %arg4[%add3A_98] : memref<3276800xf32, #tpu.memory_space<hbm>> -> memref<12800xf32, #tpu.memory_space<hbm>>
    %dma_wait3A_117 = tpu.memref_slice %arg4[%add3A_98] : memref<3276800xf32, #tpu.memory_space<hbm>> -> memref<12800xf32, #tpu.memory_space<hbm>>
    tpu.wait_dma2 semaphore(%arg20 : memref<!tpu.dma_semaphore, #tpu.memory_space<semaphore_mem>>) src(%arg12 : memref<12800xf32, #tpu.memory_space<vmem>>) dst(%dma_wait3A_117 : memref<12800xf32, #tpu.memory_space<hbm>>)
    %dma_wait3A_118 = tpu.memref_slice %arg4[%add3A_109] : memref<3276800xf32, #tpu.memory_space<hbm>> -> memref<12800xf32, #tpu.memory_space<hbm>>
    %dma_wait3A_119 = tpu.memref_slice %arg4[%add3A_109] : memref<3276800xf32, #tpu.memory_space<hbm>> -> memref<12800xf32, #tpu.memory_space<hbm>>
    tpu.wait_dma2 semaphore(%arg21 : memref<!tpu.dma_semaphore, #tpu.memory_space<semaphore_mem>>) src(%arg13 : memref<12800xf32, #tpu.memory_space<vmem>>) dst(%dma_wait3A_119 : memref<12800xf32, #tpu.memory_space<hbm>>)
    return
  }
}

</mosaic_0001>

<sc_bundles>
// kernel: kernel.3.cloned.1.call-start
scs
__scs_entry_jumppad:
0x0: {  	(pc) =	sbr.rel $0x88, $3  }
0x1: {  	(tag) =	ssettag $0x0;
	lr =	simm.s32 $0x1  }
0x2: {  	[smem:$0x3F9F] =	sst lr;
	_ =	strace $0xD0000000  }
0x3: {  	_ = 	snop  }
0x4: {  	_ = 	snop  }
0x5: {  	_ = 	snop  }
0x6: {  	_ = 	snop  }
0x7: {  	_ = 	snop  }
__scs_overlays_trampoline_lowered:
0x8: {  	[smem:$0x3FAE] =	sst s0  }
0x9: {  	[smem:$0x3FAF] =	sst s1  }
0xa: {  	[smem:$0x3FB0] =	sst s2  }
0xb: {  	[smem:$0x3FB1] =	sst s3  }
0xc: {  	[smem:$0x3FB2] =	sst s4  }
0xd: {  	[smem:$0x3FB3] =	sst s5  }
0xe: {  	[smem:$0x3FB4] =	sst s6  }
0xf: {  	[smem:$0x3FB5] =	sst s7  }
0x10: {  	[smem:$0x3FB6] =	sst s8  }
0x11: {  	[smem:$0x3FB7] =	sst s9;
	s0 =	simm.s32 @!p0 $0x0  }
0x12: {  	s1 =	sld [smem:$0x3F9D];
	s0 =	simm.s32 @p0 $0x1  }
0x13: {  	[smem:$0x3FB8] =	sst s0;
	s0 =	simm.s32 @!p1 $0x0  }
0x14: {  	s2 =	sld [smem:$0x3F9C];
	s0 =	simm.s32 @p1 $0x1  }
0x15: {  	[smem:$0x3FB9] =	sst s0;
	s0 =	simm.s32 @!p2 $0x0  }
0x16: {  	s3 =	sld [smem:$0x3FDB];
	s0 =	simm.s32 @p2 $0x1  }
0x17: {  	s4 =	simm.s32 $0x1BF5;
	[smem:$0x3FBB] =	sst s0  }
0x18: {  	s0 =	sld [smem:$0x3F9E];
	_ =	swait.ge [sflag:s4], $0x0  }
0x19: {  	s7 =	sld [smem:$0x3F9F]  }
0x1a: {  	s8 =	sadd.s32 $0xFFFFE003, lr  }
0x1b: {  	s9 =	sadd.s32 $0xFFFFFEF7, lr;
	s5 =	simm.s32 $0xFFFFFFFF;
	p2 =	slt.u32 s8, $0xFFFFF086  }
0x1c: {  	p1 =	slt.u32 s9, $0xF7A;
	s5 =	simm.s32 @!p2 $0x0  }
0x1d: {  	s5 =	simm.s32 @p1 $0x1;
	p0 =	seq.s32 s7, s2  }
0x1e: {  	s7 =	smul.u32 @!p0 $0xF7A, s2;
	p2 =	seq.s32 @!p0 s5, $0x0  }
0x1f: {  	s9 =	smul.u32 $0xF7A, s1;
	s8 =	simm.s32 @!p0 $0x1BF5;
	p2 =	por !p2, p0  }
0x20: {  	[sflag:s8] =	ssyncset.s32 @!p0 $0xFFFFF086;
	s6 =	sadd.s32 @!p0 s3, s7;
	s7 =	simm.s32 @!p0 $0x108  }
0x21: {  	s3 =	sadd.s32 s3, s9;
	s6 =	sadd.s32 @!p0 $0x88, s6;
	s7 =	simm.s32 @p2 $0x1082  }
0x22: {  	[simem:s7], [sflag:s8] =	dma.local @!p0 [hbm:s6], $0xF7A  }
0x23: {  	s9 =	sor.u32 $0xD0000000, s2;
	s6 =	simm.s32 $0x108;
	_ =	swait.ge @!p0 [sflag:s8], $0x0  }
0x24: {  	s3 =	sadd.s32 $0x88, s3;
	s6 =	simm.s32 @!p1 $0x1082;
	[sflag:s4] =	ssyncset.s32 $0xFFFFF086  }
0x25: {  	[simem:s6], [sflag:s4] =	dma.local [hbm:s3], $0xF7A  }
0x26: {  	[smem:$0x3F9F] =	sst s1;
	(tag) =	ssettag s2;
	_ =	strace s9  }
0x27: {  	s1 =	sld [smem:$0x3FAF]  }
0x28: {  	s2 =	sld [smem:$0x3FB0]  }
0x29: {  	s4 =	sld [smem:$0x3FB2]  }
0x2a: {  	p0 =	seq.s32 s5, $0x0;
	s5 =	sld [smem:$0x3FB3]  }
0x2b: {  	s6 =	sld [smem:$0x3FB4]  }
0x2c: {  	s7 =	sld [smem:$0x3FB5]  }
0x2d: {  	s3 =	simm.s32 $0x108;
	s8 =	sld [smem:$0x3FB6]  }
0x2e: {  	s3 =	simm.s32 @!p0 $0x1082;
	s9 =	sld [smem:$0x3FB7]  }
0x2f: {  	lr =	sadd.s32 s0, s3;
	s0 =	sld [smem:$0x3FAE]  }
0x30: {  	s3 =	sld [smem:$0x3FB1]  }
0x31: {  	[smem:$0x3FBA] =	sst s10  }
0x32: {  	s10 =	sld [smem:$0x3FB8];
	_ =	sdelay $0x3  }
0x33: {  	p0 =	seq.s32 s10, $0x1;
	s10 =	sld [smem:$0x3FBA];
	_ =	sdelay $0x3  }
0x34: {  	[smem:$0x3FBA] =	sst s10  }
0x35: {  	s10 =	sld [smem:$0x3FB9];
	_ =	sdelay $0x3  }
0x36: {  	p1 =	seq.s32 s10, $0x1;
	s10 =	sld [smem:$0x3FBA];
	_ =	sdelay $0x3  }
0x37: {  	[smem:$0x3FBA] =	sst s10  }
0x38: {  	s10 =	sld [smem:$0x3FBB]  }
0x39: {  	_ = 	snop;
	(pc) =	sbr.ind lr, $3  }
0x3a: {  	_ = 	snop  }
0x3b: {  	_ = 	snop  }
0x3c: {  	p2 =	seq.s32 s10, $0x1;
	s10 =	sld [smem:$0x3FBA]  }
0x3d: {  	_ =	shalt  }
0x3e: {  	_ =	shalt  }
0x3f: {  	_ =	shalt  }
0x40: {  	_ =	shalt  }
0x41: {  	_ =	shalt  }
0x42: {  	_ =	shalt  }
0x43: {  	_ =	shalt  }
0x44: {  	_ =	shalt  }
0x45: {  	_ =	shalt  }
0x46: {  	_ =	shalt  }
0x47: {  	_ =	shalt  }
0x48: {  	_ =	shalt  }
0x49: {  	_ =	shalt  }
0x4a: {  	_ =	shalt  }
0x4b: {  	_ =	shalt  }
0x4c: {  	_ =	shalt  }
0x4d: {  	_ =	shalt  }
0x4e: {  	_ =	shalt  }
0x4f: {  	_ =	shalt  }
0x50: {  	_ =	shalt  }
0x51: {  	_ =	shalt  }
0x52: {  	_ =	shalt  }
0x53: {  	_ =	shalt  }
0x54: {  	_ =	shalt  }
0x55: {  	_ =	shalt  }
0x56: {  	_ =	shalt  }
0x57: {  	_ =	shalt  }
0x58: {  	_ =	shalt  }
0x59: {  	_ =	shalt  }
0x5a: {  	_ =	shalt  }
0x5b: {  	_ =	shalt  }
0x5c: {  	_ =	shalt  }
0x5d: {  	_ =	shalt  }
0x5e: {  	_ =	shalt  }
0x5f: {  	_ =	shalt  }
0x60: {  	_ =	shalt  }
0x61: {  	_ =	shalt  }
0x62: {  	_ =	shalt  }
0x63: {  	_ =	shalt  }
0x64: {  	_ =	shalt  }
0x65: {  	_ =	shalt  }
0x66: {  	_ =	shalt  }
0x67: {  	_ =	shalt  }
0x68: {  	_ =	shalt  }
0x69: {  	_ =	shalt  }
0x6a: {  	_ =	shalt  }
0x6b: {  	_ =	shalt  }
0x6c: {  	_ =	shalt  }
0x6d: {  	_ =	shalt  }
0x6e: {  	_ =	shalt  }
0x6f: {  	_ =	shalt  }
0x70: {  	_ =	shalt  }
0x71: {  	_ =	shalt  }
0x72: {  	_ =	shalt  }
0x73: {  	_ =	shalt  }
0x74: {  	_ =	shalt  }
0x75: {  	_ =	shalt  }
0x76: {  	_ =	shalt  }
0x77: {  	_ =	shalt  }
0x78: {  	_ =	shalt  }
0x79: {  	_ =	shalt  }
0x7a: {  	_ =	shalt  }
0x7b: {  	_ =	shalt  }
0x7c: {  	_ =	shalt  }
0x7d: {  	_ =	shalt  }
0x7e: {  	_ =	shalt  }
0x7f: {  	_ =	shalt  }
0x80: {  	_ =	shalt  }
0x81: {  	_ =	shalt  }
0x82: {  	_ =	shalt  }
0x83: {  	_ =	shalt  }
0x84: {  	_ =	shalt  }
0x85: {  	_ =	shalt  }
0x86: {  	_ =	shalt  }
0x87: {  	_ =	shalt  }
.Lfunc_end0:
.L_simem_size_0:
called_computation_lowered:
.L_overlay_start_0:
0x88: {  	s2 =	sld [smem:$0x3FD9]  }
0x89: {  	s3 =	sld [smem:$0x3FFE];
	_ =	sdelay $0x1  }
0x8a: {  	s1 =	srdreg.scid  }
0x8b: {  	s0 =	sand.u32 $0x1, s1  }
0x8c: {  	s18 =	sshll.u32 s0, $0xA;
	s2 =	sadd.s32 s3, s2  }
0x8d: {  	s2 =	sadd.s32 s2, s18  }
0x8e: {  	[smem:$0x3FC6] =	sst s2  }
0x8f: {  	_ = 	snop  }
0x90: {  	s2 =	sld [smem:$0x3FC9]  }
0x91: {  	s19 =	sld [smem:$0x3FC8]  }
0x92: {  	s4 =	sld [smem:$0x3FD0];
	(tm) =	ssettm $0x1  }
0x93: {  	s5 =	sld [smem:$0x3FFB];
	_ =	sdelay $0x3  }
0x94: {  	_ =	strace s5  }
0x95: {  	s5 =	sld [smem:$0x3FFC];
	_ =	sdelay $0x3  }
0x96: {  	_ =	strace s5  }
0x97: {  	s5 =	sld [smem:$0x3FFD];
	_ =	sdelay $0x3  }
0x98: {  	_ =	strace s5  }
0x99: {  	_ =	strace $0x8FFFFFFF  }
0x9a: {  	s20 =	sld [smem:$0x3FDB];
	_ =	sdelay $0x1  }
0x9b: {  	s6 =	simm.s32 $_scs_section_size  }
0x9c: {  	s7 =	simm.s32 $_size__tile_overlayer_lowered;
	s8 =	simm.s32 $_tile_overlayer_lowered  }
0x9d: {  	s23 =	simm.s32 $0x1BFF;
	s22 =	sshll.u32 s8, $0x1;
	s5 =	sadd.s32 s6, s20  }
0x9e: {  	s9 =	simm.s32 $0x0;
	s21 =	sshll.u32 s7, $0x1;
	s7 =	sadd.s32 s22, s5  }
0x9f: {  	[timem:s9], [sflag:s23] =	dma.local [hbm:s7], s21  }
0xa0: {  	_ =	swait.ge [sflag:s23], s21  }
0xa1: {  	s6 =	ssub.s32 $0x0, s21;
	[sflag:s23] =	ssyncset.done $0x0  }
0xa2: {  	[sflag:s23] =	ssyncadd.s32 s6;
	_ =	sdelay $0x1  }
0xa3: {  	s24 =	simm.s32 $0x1B8B  }
0xa4: {  	_ =	swait.ge [sflag:s24], $0x1  }
0xa5: {  	[sflag:s24] =	ssyncset.done $0x0  }
0xa6: {  	s25 =	simm.s32 $0x1B8E;
	[sflag:s24] =	ssyncadd.s32 $0xFFFFFFFF  }
0xa7: {  	s26 =	simm.s32 $execute0_lowered;
	[smem:$0x3FD2] =	sst s25  }
0xa8: {  	s6 =	sshll.u32 s26, $0x1;
	_ =	strace $0x80000046;
	[dreg:$0x1] =	wrdreg $0xFFFFFFFF  }
0xa9: {  	s28 =	simm.s32 $_size_execute0_lowered;
	s5 =	sadd.s32 s5, s6;
	[dreg:$0x0] =	wrdreg $0x0  }
0xaa: {  	s6 =	sshll.u32 s28, $0x1;
	[dreg:$0x2] =	wrdreg s5  }
0xab: {  	[dreg:$0x3] =	wrdreg s6  }
0xac: {  	[dreg:$0x4] =	wrdreg $0xC0  }
0xad: {  	_ =	task [dreg:s9], $0x5FFFF  }
0xae: {  	[dreg:$0x1] =	wrdreg $0xFFFFFFFF  }
0xaf: {  	[dreg:$0x0] =	wrdreg $0x60  }
0xb0: {  	[dreg:$0x2] =	wrdreg s2  }
0xb1: {  	[dreg:$0x3] =	wrdreg s19  }
0xb2: {  	[dreg:$0x4] =	wrdreg s4  }
0xb3: {  	[dreg:$0x5] =	wrdreg $0x9  }
0xb4: {  	_ =	task.clear_ibuf [dreg:s9], $0x6FFFF;
	_ =	strace $0x90000046  }
0xb5: {  	s29 =	simm.s32 $0x9;
	_ =	strace $0x80000048  }
0xb6: {  	_ =	swait.ge [sflag:s29], $0x1  }
0xb7: {  	[sflag:s29] =	ssyncadd.s32 $0xFFFFFFFF  }
0xb8: {  	_ =	strace $0x90000048  }
0xb9: {  	_ =	sfence  }
0xba: {  	s30 =	sld [smem:$0x0];
	_ =	sdelay $0x2  }
0xbb: {  	s31 =	sshll.u32 s1, $0xD;
	s1 =	sshrl.u32 s1, $0x2  }
0xbc: {  	s3 =	sand.u32 $0x4000, s31;
	s1 =	sadd.s32 s1, s30  }
0xbd: {  	s0 =	sor.u32 s3, s0;
	s1 =	sshll.u32 s1, $0x11  }
0xbe: {  	s0 =	sor.u32 s1, s0  }
0xbf: {  	s0 =	sadd.s32 $0x8F2B, s0  }
0xc0: {  	[sflag:s0] =	ssyncadd.remote.s32 $0x1  }
0xc1: {  	_ =	sfence.sel $0xFFFF  }
0xc2: {  	[dreg:$0x0] =	wrdreg $0xFFFFFFFF;
	(pc) =	sbr.abs _section_cstart, $3  }
0xc3: {  	[dreg:$0x1] =	wrdreg $0xFFFFFFFF  }
0xc4: {  	_ =	task.clear_ibuf [dreg:s9], $0x2FFFF;
	_ =	strace $0x9FFFFFFF  }
0xc5: {  	(tm) =	ssettm $0x7FFFFFFF  }
tec
execute0_lowered:
.L_overlay_start_1:
0x0: {  	(tag) =	ssettag $0x1  }
0x1: {  	s1 =	srdreg.scid;
	s3 =	stileid.u32  }
0x2: {  	s0 =	rddreg [dreg:$0x1];
	s1 =	sand.u32 $0x1, s1;
	s3 =	sshll.u32 s3, $0x1  }
0x3: {  	s2 =	rddreg [dreg:$0x2];
	s28 =	simm.s32 $0xCC00;
	s4 =	sor.u32 s1, s3  }
0x4: {  	s29 =	simm.s32 $0x2;
	s30 =	simm.s32 $0xFE00;
	s4 =	smul.u32 $0x19000, s4  }
0x5: {  	s31 =	simm.s32 $0x3;
	s3 =	simm.s32 $0x0;
	s1 =	ssub.s32 $0x2, s1  }
0x6: {  	[smem:$0x7FF] =	sst s3;
	s5 =	sshrl.u32 s1, $0x1;
	s4 =	sshrl.u32 s4, $0x3  }
0x7: {  	_ =	strace $0x80000047;
	s1 =	ssub.s32 s1, s5;
	s18 =	sadd.s32 s0, s4  }
0x8: {  	s19 =	sadd.s32 $0x640, s4;
	s6 =	sadd.s32 $0xC80, s4;
	s21 =	sadd.s32 $0x12C0, s4  }
0x9: {  	s22 =	sadd.s32 s2, s4;
	s23 =	sadd.s32 $0x1900, s4;
	s24 =	sadd.s32 $0x1F40, s4  }
0xa: {  	s26 =	sadd.s32 $0x2580, s4;
	s4 =	sadd.s32 $0x2BC0, s4;
	[dreg:$0x4] =	wrdreg s18  }
0xb: {  	s7 =	sadd.s32 s0, s19;
	s20 =	sadd.s32 s0, s6;
	s8 =	sadd.s32 s0, s21  }
0xc: {  	[dreg:$0x8] =	wrdreg s22;
	s9 =	sadd.s32 s0, s23;
	s5 =	sadd.s32 s2, s19  }
0xd: {  	s25 =	sadd.s32 s0, s24;
	s12 =	sadd.s32 s2, s6;
	s13 =	sadd.s32 s0, s26  }
0xe: {  	s14 =	sadd.s32 s2, s21;
	s15 =	sadd.s32 s0, s4;
	s16 =	sadd.s32 s2, s23  }
0xf: {  	s17 =	sadd.s32 s2, s24;
	s18 =	sadd.s32 s2, s26;
	[dreg:$0x5] =	wrdreg s7  }
0x10: {  	s19 =	sadd.s32 s2, s4;
	s21 =	simm.s32 $0x400;
	[dreg:$0x6] =	wrdreg s20  }
0x11: {  	s22 =	simm.s32 $0x3600;
	s23 =	simm.s32 $0x6800;
	[dreg:$0x7] =	wrdreg s8  }
0x12: {  	s24 =	simm.s32 $0x9A00;
	s26 =	simm.s32 $0x1;
	[dreg:$0x9] =	wrdreg s9  }
0x13: {  	s2 =	simm.s32 $0x13000;
	s0 =	simm.s32 $0x4;
	[dreg:$0xa] =	wrdreg s5  }
0x14: {  	s4 =	simm.s32 $0x5;
	s6 =	simm.s32 $0x7;
	[dreg:$0xb] =	wrdreg s25  }
0x15: {  	s20 =	smax.u32 s1, $0x1;
	s25 =	simm.s32 $0x9;
	s1 =	simm.s32 $0x16200  }
0x16: {  	s5 =	simm.s32 $0x6;
	s7 =	simm.s32 $0x8;
	s8 =	simm.s32 $0x0  }
.LBB2_1:
0x17: {  	s9 =	rddreg [dreg:$0x4]  }
0x18: {  	[tilespmem:s21], [sflag:$0x1] =	stream.linear.gather [hbm4b:s9+s3], $0x3200, $0x38;
	[tilespmem:$0x19400] =	vst v63  }
0x19: {  	s11 =	rddreg [dreg:$0x5]  }
0x1a: {  	[tilespmem:s22], [sflag:$0x2] =	stream.linear.gather [hbm4b:s11+s3], $0x3200, $0x38;
	[tilespmem:$0x19400] =	vst v63  }
0x1b: {  	s10 =	rddreg [dreg:$0x6]  }
0x1c: {  	[tilespmem:s23], [sflag:$0x3] =	stream.linear.gather [hbm4b:s10+s3], $0x3200, $0x38;
	[tilespmem:$0x19400] =	vst v63  }
0x1d: {  	s11 =	rddreg [dreg:$0x7]  }
0x1e: {  	[tilespmem:s24], [sflag:$0x4] =	stream.linear.gather [hbm4b:s11+s3], $0x3200, $0x38;
	[tilespmem:$0x19400] =	vst v63  }
0x1f: {  	s10 =	rddreg [dreg:$0x0]  }
0x20: {  	[tilespmem:s3], [sflag:$0x9] =	stream.linear.gather [hbm4b:s10+s3], $0x400, $0x38;
	[tilespmem:$0x19400] =	vst v63  }
0x21: {  	_ =	swait.ge [sflag:s25], $0x400  }
0x22: {  	[sflag:s25] =	ssyncset.done $0x0  }
0x23: {  	[sflag:s25] =	ssyncadd.s32 $0xFFFFFC00  }
0x24: {  	_ =	swait.ge [sflag:s26], $0x3200  }
0x25: {  	[sflag:s26] =	ssyncset.done $0x0  }
0x26: {  	s11 =	simm.s32 $0x440;
	[sflag:s26] =	ssyncadd.s32 $0xFFFFCE00  }
0x27: {  	v0 =	vld [tilespmem:s11+$0x30]  }
0x28: {  	v1 =	vld [tilespmem:s11+$0xFFFFFFD0]  }
0x29: {  	v2 =	vld [tilespmem:s11+$0xFFFFFFE0]  }
0x2a: {  	v3 =	vld [tilespmem:s11+$0xFFFFFFF0]  }
0x2b: {  	v4 =	vld [tilespmem:s11+$0x0]  }
0x2c: {  	v6 =	vld [tilespmem:s11+$0x10]  }
0x2d: {  	v7 =	vld [tilespmem:s11+$0x20]  }
0x2e: {  	v8 =	vld [tilespmem:s11+$0xFFFFFFC0]  }
0x2f: {  	v9 =	vld.idx.msk [tilespmem:v0+s3+$0x0], $0xffff  }
0x30: {  	v10 =	vld.idx.msk [tilespmem:v1+s3+$0x0], $0xffff  }
0x31: {  	v5 =	vld.idx.msk [tilespmem:v2+s3+$0x0], $0xffff  }
0x32: {  	v3 =	vld.idx.msk [tilespmem:v3+s3+$0x0], $0xffff  }
0x33: {  	v0 =	vld.idx.msk [tilespmem:v4+s3+$0x0], $0xffff  }
0x34: {  	s9 =	simm.s32 $0xCC40;
	v1 =	vld.idx.msk [tilespmem:v6+s3+$0x0], $0xffff  }
0x35: {  	v2 =	vld.idx.msk [tilespmem:v7+s3+$0x0], $0xffff;
	[tilespmem:s9+$0x30] =	vst v9  }
0x36: {  	s10 =	simm.s32 $0x0;
	s11 =	simm.s32 $0x4C0;
	v4 =	vld.idx.msk [tilespmem:v8+s3+$0x0], $0xffff;
	[tilespmem:s9+$0xFFFFFFD0] =	vst v10  }
.LBB2_2:
0x37: {  	v6 =	vld [tilespmem:s11+$0x30];
	s10 =	sadd.s32 $0x80, s10;
	[tilespmem:s9+$0xFFFFFFE0] =	vst v5  }
0x38: {  	v5 =	vld [tilespmem:s11+$0xFFFFFFD0];
	p0 =	slt.u32 s10, $0x3180;
	[tilespmem:s9+$0xFFFFFFF0] =	vst v3  }
0x39: {  	v3 =	vld [tilespmem:s11+$0xFFFFFFE0];
	[tilespmem:s9+$0x0] =	vst v0  }
0x3a: {  	v0 =	vld [tilespmem:s11+$0xFFFFFFF0];
	[tilespmem:s9+$0x10] =	vst v1  }
0x3b: {  	v1 =	vld [tilespmem:s11+$0x0];
	[tilespmem:s9+$0x20] =	vst v2  }
0x3c: {  	v2 =	vld [tilespmem:s11+$0x10];
	[tilespmem:s9+$0xFFFFFFC0] =	vst v4  }
0x3d: {  	v4 =	vld [tilespmem:s11+$0x20]  }
0x3e: {  	v7 =	vld [tilespmem:s11+$0xFFFFFFC0]  }
0x3f: {  	v6 =	vld.idx.msk [tilespmem:v6+s3+$0x0], $0xffff  }
0x40: {  	v8 =	vld.idx.msk [tilespmem:v5+s3+$0x0], $0xffff  }
0x41: {  	v5 =	vld.idx.msk [tilespmem:v3+s3+$0x0], $0xffff  }
.Ltmp0:
0x42: {  	v3 =	vld.idx.msk [tilespmem:v0+s3+$0x0], $0xffff;
	(pc) =	sbr.rel @p0 .LBB2_2-.Ltmp0, $4  }
0x43: {  	v0 =	vld.idx.msk [tilespmem:v1+s3+$0x0], $0xffff  }
0x44: {  	s9 =	sadd.s32 $0x80, s9;
	v1 =	vld.idx.msk [tilespmem:v2+s3+$0x0], $0xffff  }
0x45: {  	v2 =	vld.idx.msk [tilespmem:v4+s3+$0x0], $0xffff;
	[tilespmem:s9+$0x30] =	vst v6  }
0x46: {  	s11 =	sadd.s32 $0x80, s11;
	v4 =	vld.idx.msk [tilespmem:v7+s3+$0x0], $0xffff;
	[tilespmem:s9+$0xFFFFFFD0] =	vst v8  }
0x47: {  	[tilespmem:s9+$0xFFFFFFE0] =	vst v5  }
0x48: {  	[tilespmem:s9+$0xFFFFFFF0] =	vst v3  }
0x49: {  	[tilespmem:s9+$0x0] =	vst v0  }
0x4a: {  	[tilespmem:s9+$0x10] =	vst v1  }
0x4b: {  	[tilespmem:s9+$0x20] =	vst v2  }
0x4c: {  	[tilespmem:s9+$0xFFFFFFC0] =	vst v4  }
0x4d: {  	s9 =	rddreg [dreg:$0x8]  }
0x4e: {  	[hbm4b:s9+s3] =	stream.linear.scatter [tilespmem:s28], [sflag:$0x5], $0x3200, $0x38;
	[tilespmem:$0x19400] =	vst v63  }
0x4f: {  	s10 =	rddreg [dreg:$0x9]  }
0x50: {  	[tilespmem:s21], [sflag:$0x1] =	stream.linear.gather [hbm4b:s10+s3], $0x3200, $0x38;
	[tilespmem:$0x19400] =	vst v63  }
0x51: {  	_ =	swait.ge [sflag:s29], $0x3200  }
0x52: {  	[sflag:s29] =	ssyncset.done $0x0  }
0x53: {  	s11 =	simm.s32 $0x3640;
	[sflag:s29] =	ssyncadd.s32 $0xFFFFCE00  }
0x54: {  	v0 =	vld [tilespmem:s11+$0x30]  }
0x55: {  	v1 =	vld [tilespmem:s11+$0xFFFFFFD0]  }
0x56: {  	v2 =	vld [tilespmem:s11+$0xFFFFFFE0]  }
0x57: {  	v3 =	vld [tilespmem:s11+$0xFFFFFFF0]  }
0x58: {  	v4 =	vld [tilespmem:s11+$0x0]  }
0x59: {  	v6 =	vld [tilespmem:s11+$0x10]  }
0x5a: {  	v7 =	vld [tilespmem:s11+$0x20]  }
0x5b: {  	v8 =	vld [tilespmem:s11+$0xFFFFFFC0]  }
0x5c: {  	v9 =	vld.idx.msk [tilespmem:v0+s3+$0x0], $0xffff  }
0x5d: {  	v10 =	vld.idx.msk [tilespmem:v1+s3+$0x0], $0xffff  }
0x5e: {  	v5 =	vld.idx.msk [tilespmem:v2+s3+$0x0], $0xffff  }
0x5f: {  	v3 =	vld.idx.msk [tilespmem:v3+s3+$0x0], $0xffff  }
0x60: {  	v0 =	vld.idx.msk [tilespmem:v4+s3+$0x0], $0xffff  }
0x61: {  	s9 =	simm.s32 $0xFE40;
	v1 =	vld.idx.msk [tilespmem:v6+s3+$0x0], $0xffff  }
0x62: {  	v2 =	vld.idx.msk [tilespmem:v7+s3+$0x0], $0xffff;
	[tilespmem:s9+$0x30] =	vst v9  }
0x63: {  	s10 =	simm.s32 $0x0;
	s11 =	simm.s32 $0x36C0;
	v4 =	vld.idx.msk [tilespmem:v8+s3+$0x0], $0xffff;
	[tilespmem:s9+$0xFFFFFFD0] =	vst v10  }
.LBB2_4:
0x64: {  	v6 =	vld [tilespmem:s11+$0x30];
	s10 =	sadd.s32 $0x80, s10;
	[tilespmem:s9+$0xFFFFFFE0] =	vst v5  }
0x65: {  	v5 =	vld [tilespmem:s11+$0xFFFFFFD0];
	p0 =	slt.u32 s10, $0x3180;
	[tilespmem:s9+$0xFFFFFFF0] =	vst v3  }
0x66: {  	v3 =	vld [tilespmem:s11+$0xFFFFFFE0];
	[tilespmem:s9+$0x0] =	vst v0  }
0x67: {  	v0 =	vld [tilespmem:s11+$0xFFFFFFF0];
	[tilespmem:s9+$0x10] =	vst v1  }
0x68: {  	v1 =	vld [tilespmem:s11+$0x0];
	[tilespmem:s9+$0x20] =	vst v2  }
0x69: {  	v2 =	vld [tilespmem:s11+$0x10];
	[tilespmem:s9+$0xFFFFFFC0] =	vst v4  }
0x6a: {  	v4 =	vld [tilespmem:s11+$0x20]  }
0x6b: {  	v7 =	vld [tilespmem:s11+$0xFFFFFFC0]  }
0x6c: {  	v6 =	vld.idx.msk [tilespmem:v6+s3+$0x0], $0xffff  }
0x6d: {  	v8 =	vld.idx.msk [tilespmem:v5+s3+$0x0], $0xffff  }
0x6e: {  	v5 =	vld.idx.msk [tilespmem:v3+s3+$0x0], $0xffff  }
.Ltmp1:
0x6f: {  	v3 =	vld.idx.msk [tilespmem:v0+s3+$0x0], $0xffff;
	(pc) =	sbr.rel @p0 .LBB2_4-.Ltmp1, $4  }
0x70: {  	v0 =	vld.idx.msk [tilespmem:v1+s3+$0x0], $0xffff  }
0x71: {  	s9 =	sadd.s32 $0x80, s9;
	v1 =	vld.idx.msk [tilespmem:v2+s3+$0x0], $0xffff  }
0x72: {  	v2 =	vld.idx.msk [tilespmem:v4+s3+$0x0], $0xffff;
	[tilespmem:s9+$0x30] =	vst v6  }
0x73: {  	s11 =	sadd.s32 $0x80, s11;
	v4 =	vld.idx.msk [tilespmem:v7+s3+$0x0], $0xffff;
	[tilespmem:s9+$0xFFFFFFD0] =	vst v8  }
0x74: {  	[tilespmem:s9+$0xFFFFFFE0] =	vst v5  }
0x75: {  	[tilespmem:s9+$0xFFFFFFF0] =	vst v3  }
0x76: {  	[tilespmem:s9+$0x0] =	vst v0  }
0x77: {  	[tilespmem:s9+$0x10] =	vst v1  }
0x78: {  	[tilespmem:s9+$0x20] =	vst v2  }
0x79: {  	[tilespmem:s9+$0xFFFFFFC0] =	vst v4  }
0x7a: {  	s9 =	rddreg [dreg:$0xa]  }
0x7b: {  	[hbm4b:s9+s3] =	stream.linear.scatter [tilespmem:s30], [sflag:$0x6], $0x3200, $0x38;
	[tilespmem:$0x19400] =	vst v63  }
0x7c: {  	s10 =	rddreg [dreg:$0xb]  }
0x7d: {  	[tilespmem:s22], [sflag:$0x2] =	stream.linear.gather [hbm4b:s10+s3], $0x3200, $0x38;
	[tilespmem:$0x19400] =	vst v63  }
0x7e: {  	_ =	swait.ge [sflag:s31], $0x3200  }
0x7f: {  	[sflag:s31] =	ssyncset.done $0x0  }
0x80: {  	s11 =	simm.s32 $0x6840;
	[sflag:s31] =	ssyncadd.s32 $0xFFFFCE00  }
0x81: {  	v0 =	vld [tilespmem:s11+$0x30]  }
0x82: {  	v1 =	vld [tilespmem:s11+$0xFFFFFFD0]  }
0x83: {  	v2 =	vld [tilespmem:s11+$0xFFFFFFE0]  }
0x84: {  	v3 =	vld [tilespmem:s11+$0xFFFFFFF0]  }
0x85: {  	v4 =	vld [tilespmem:s11+$0x0]  }
0x86: {  	v6 =	vld [tilespmem:s11+$0x10]  }
0x87: {  	v7 =	vld [tilespmem:s11+$0x20]  }
0x88: {  	v8 =	vld [tilespmem:s11+$0xFFFFFFC0]  }
0x89: {  	v9 =	vld.idx.msk [tilespmem:v0+s3+$0x0], $0xffff  }
0x8a: {  	v10 =	vld.idx.msk [tilespmem:v1+s3+$0x0], $0xffff  }
0x8b: {  	v5 =	vld.idx.msk [tilespmem:v2+s3+$0x0], $0xffff  }
0x8c: {  	v3 =	vld.idx.msk [tilespmem:v3+s3+$0x0], $0xffff  }
0x8d: {  	v0 =	vld.idx.msk [tilespmem:v4+s3+$0x0], $0xffff  }
0x8e: {  	s9 =	simm.s32 $0x13040;
	v1 =	vld.idx.msk [tilespmem:v6+s3+$0x0], $0xffff  }
0x8f: {  	v2 =	vld.idx.msk [tilespmem:v7+s3+$0x0], $0xffff;
	[tilespmem:s9+$0x30] =	vst v9  }
0x90: {  	s10 =	simm.s32 $0x0;
	s11 =	simm.s32 $0x68C0;
	v4 =	vld.idx.msk [tilespmem:v8+s3+$0x0], $0xffff;
	[tilespmem:s9+$0xFFFFFFD0] =	vst v10  }
.LBB2_6:
0x91: {  	v6 =	vld [tilespmem:s11+$0x30];
	s10 =	sadd.s32 $0x80, s10;
	[tilespmem:s9+$0xFFFFFFE0] =	vst v5  }
0x92: {  	v5 =	vld [tilespmem:s11+$0xFFFFFFD0];
	p0 =	slt.u32 s10, $0x3180;
	[tilespmem:s9+$0xFFFFFFF0] =	vst v3  }
0x93: {  	v3 =	vld [tilespmem:s11+$0xFFFFFFE0];
	[tilespmem:s9+$0x0] =	vst v0  }
0x94: {  	v0 =	vld [tilespmem:s11+$0xFFFFFFF0];
	[tilespmem:s9+$0x10] =	vst v1  }
0x95: {  	v1 =	vld [tilespmem:s11+$0x0];
	[tilespmem:s9+$0x20] =	vst v2  }
0x96: {  	v2 =	vld [tilespmem:s11+$0x10];
	[tilespmem:s9+$0xFFFFFFC0] =	vst v4  }
0x97: {  	v4 =	vld [tilespmem:s11+$0x20]  }
0x98: {  	v7 =	vld [tilespmem:s11+$0xFFFFFFC0]  }
0x99: {  	v6 =	vld.idx.msk [tilespmem:v6+s3+$0x0], $0xffff  }
0x9a: {  	v8 =	vld.idx.msk [tilespmem:v5+s3+$0x0], $0xffff  }
0x9b: {  	v5 =	vld.idx.msk [tilespmem:v3+s3+$0x0], $0xffff  }
.Ltmp2:
0x9c: {  	v3 =	vld.idx.msk [tilespmem:v0+s3+$0x0], $0xffff;
	(pc) =	sbr.rel @p0 .LBB2_6-.Ltmp2, $4  }
0x9d: {  	v0 =	vld.idx.msk [tilespmem:v1+s3+$0x0], $0xffff  }
0x9e: {  	s9 =	sadd.s32 $0x80, s9;
	v1 =	vld.idx.msk [tilespmem:v2+s3+$0x0], $0xffff  }
0x9f: {  	v2 =	vld.idx.msk [tilespmem:v4+s3+$0x0], $0xffff;
	[tilespmem:s9+$0x30] =	vst v6  }
0xa0: {  	s11 =	sadd.s32 $0x80, s11;
	v4 =	vld.idx.msk [tilespmem:v7+s3+$0x0], $0xffff;
	[tilespmem:s9+$0xFFFFFFD0] =	vst v8  }
0xa1: {  	[tilespmem:s9+$0xFFFFFFE0] =	vst v5  }
0xa2: {  	[tilespmem:s9+$0xFFFFFFF0] =	vst v3  }
0xa3: {  	[tilespmem:s9+$0x0] =	vst v0  }
0xa4: {  	[tilespmem:s9+$0x10] =	vst v1  }
0xa5: {  	[tilespmem:s9+$0x20] =	vst v2  }
0xa6: {  	[tilespmem:s9+$0xFFFFFFC0] =	vst v4  }
0xa7: {  	[hbm4b:s12+s3] =	stream.linear.scatter [tilespmem:s2], [sflag:$0x7], $0x3200, $0x38;
	[tilespmem:$0x19400] =	vst v63  }
0xa8: {  	_ = 	snop  }
0xa9: {  	[tilespmem:s23], [sflag:$0x3] =	stream.linear.gather [hbm4b:s13+s3], $0x3200, $0x38;
	[tilespmem:$0x19400] =	vst v63  }
0xaa: {  	_ =	swait.ge [sflag:s0], $0x3200  }
0xab: {  	[sflag:s0] =	ssyncset.done $0x0  }
0xac: {  	s11 =	simm.s32 $0x9A40;
	[sflag:s0] =	ssyncadd.s32 $0xFFFFCE00  }
0xad: {  	v0 =	vld [tilespmem:s11+$0x30]  }
0xae: {  	v1 =	vld [tilespmem:s11+$0xFFFFFFD0]  }
0xaf: {  	v2 =	vld [tilespmem:s11+$0xFFFFFFE0]  }
0xb0: {  	v3 =	vld [tilespmem:s11+$0xFFFFFFF0]  }
0xb1: {  	v4 =	vld [tilespmem:s11+$0x0]  }
0xb2: {  	v6 =	vld [tilespmem:s11+$0x10]  }
0xb3: {  	v7 =	vld [tilespmem:s11+$0x20]  }
0xb4: {  	v8 =	vld [tilespmem:s11+$0xFFFFFFC0]  }
0xb5: {  	v9 =	vld.idx.msk [tilespmem:v0+s3+$0x0], $0xffff  }
0xb6: {  	v10 =	vld.idx.msk [tilespmem:v1+s3+$0x0], $0xffff  }
0xb7: {  	v5 =	vld.idx.msk [tilespmem:v2+s3+$0x0], $0xffff  }
0xb8: {  	v3 =	vld.idx.msk [tilespmem:v3+s3+$0x0], $0xffff  }
0xb9: {  	v0 =	vld.idx.msk [tilespmem:v4+s3+$0x0], $0xffff  }
0xba: {  	s9 =	simm.s32 $0x16240;
	v1 =	vld.idx.msk [tilespmem:v6+s3+$0x0], $0xffff  }
0xbb: {  	v2 =	vld.idx.msk [tilespmem:v7+s3+$0x0], $0xffff;
	[tilespmem:s9+$0x30] =	vst v9  }
0xbc: {  	s10 =	simm.s32 $0x0;
	s11 =	simm.s32 $0x9AC0;
	v4 =	vld.idx.msk [tilespmem:v8+s3+$0x0], $0xffff;
	[tilespmem:s9+$0xFFFFFFD0] =	vst v10  }
.LBB2_8:
0xbd: {  	v6 =	vld [tilespmem:s11+$0x30];
	s10 =	sadd.s32 $0x80, s10;
	[tilespmem:s9+$0xFFFFFFE0] =	vst v5  }
0xbe: {  	v5 =	vld [tilespmem:s11+$0xFFFFFFD0];
	p0 =	slt.u32 s10, $0x3180;
	[tilespmem:s9+$0xFFFFFFF0] =	vst v3  }
0xbf: {  	v3 =	vld [tilespmem:s11+$0xFFFFFFE0];
	[tilespmem:s9+$0x0] =	vst v0  }
0xc0: {  	v0 =	vld [tilespmem:s11+$0xFFFFFFF0];
	[tilespmem:s9+$0x10] =	vst v1  }
0xc1: {  	v1 =	vld [tilespmem:s11+$0x0];
	[tilespmem:s9+$0x20] =	vst v2  }
0xc2: {  	v2 =	vld [tilespmem:s11+$0x10];
	[tilespmem:s9+$0xFFFFFFC0] =	vst v4  }
0xc3: {  	v4 =	vld [tilespmem:s11+$0x20]  }
0xc4: {  	v7 =	vld [tilespmem:s11+$0xFFFFFFC0]  }
0xc5: {  	v6 =	vld.idx.msk [tilespmem:v6+s3+$0x0], $0xffff  }
0xc6: {  	v8 =	vld.idx.msk [tilespmem:v5+s3+$0x0], $0xffff  }
0xc7: {  	v5 =	vld.idx.msk [tilespmem:v3+s3+$0x0], $0xffff  }
.Ltmp3:
0xc8: {  	v3 =	vld.idx.msk [tilespmem:v0+s3+$0x0], $0xffff;
	(pc) =	sbr.rel @p0 .LBB2_8-.Ltmp3, $4  }
0xc9: {  	v0 =	vld.idx.msk [tilespmem:v1+s3+$0x0], $0xffff  }
0xca: {  	s9 =	sadd.s32 $0x80, s9;
	v1 =	vld.idx.msk [tilespmem:v2+s3+$0x0], $0xffff  }
0xcb: {  	v2 =	vld.idx.msk [tilespmem:v4+s3+$0x0], $0xffff;
	[tilespmem:s9+$0x30] =	vst v6  }
0xcc: {  	s11 =	sadd.s32 $0x80, s11;
	v4 =	vld.idx.msk [tilespmem:v7+s3+$0x0], $0xffff;
	[tilespmem:s9+$0xFFFFFFD0] =	vst v8  }
0xcd: {  	[tilespmem:s9+$0xFFFFFFE0] =	vst v5  }
0xce: {  	[tilespmem:s9+$0xFFFFFFF0] =	vst v3  }
0xcf: {  	[tilespmem:s9+$0x0] =	vst v0  }
0xd0: {  	[tilespmem:s9+$0x10] =	vst v1  }
0xd1: {  	[tilespmem:s9+$0x20] =	vst v2  }
0xd2: {  	[tilespmem:s9+$0xFFFFFFC0] =	vst v4  }
0xd3: {  	[hbm4b:s14+s3] =	stream.linear.scatter [tilespmem:s1], [sflag:$0x8], $0x3200, $0x38;
	[tilespmem:$0x19400] =	vst v63  }
0xd4: {  	_ = 	snop  }
0xd5: {  	[tilespmem:s24], [sflag:$0x4] =	stream.linear.gather [hbm4b:s15+s3], $0x3200, $0x38;
	[tilespmem:$0x19400] =	vst v63  }
0xd6: {  	_ =	swait.ge [sflag:s26], $0x3200  }
0xd7: {  	[sflag:s26] =	ssyncset.done $0x0  }
0xd8: {  	[sflag:s26] =	ssyncadd.s32 $0xFFFFCE00  }
0xd9: {  	_ =	swait.ge [sflag:s4], $0x3200  }
0xda: {  	[sflag:s4] =	ssyncset.done $0x0  }
0xdb: {  	s11 =	simm.s32 $0x440;
	[sflag:s4] =	ssyncadd.s32 $0xFFFFCE00  }
0xdc: {  	v0 =	vld [tilespmem:s11+$0x30]  }
0xdd: {  	v1 =	vld [tilespmem:s11+$0xFFFFFFD0]  }
0xde: {  	v2 =	vld [tilespmem:s11+$0xFFFFFFE0]  }
0xdf: {  	v3 =	vld [tilespmem:s11+$0xFFFFFFF0]  }
0xe0: {  	v4 =	vld [tilespmem:s11+$0x0]  }
0xe1: {  	v6 =	vld [tilespmem:s11+$0x10]  }
0xe2: {  	v7 =	vld [tilespmem:s11+$0x20]  }
0xe3: {  	v8 =	vld [tilespmem:s11+$0xFFFFFFC0]  }
0xe4: {  	v9 =	vld.idx.msk [tilespmem:v0+s3+$0x0], $0xffff  }
0xe5: {  	v10 =	vld.idx.msk [tilespmem:v1+s3+$0x0], $0xffff  }
0xe6: {  	v5 =	vld.idx.msk [tilespmem:v2+s3+$0x0], $0xffff  }
0xe7: {  	v3 =	vld.idx.msk [tilespmem:v3+s3+$0x0], $0xffff  }
0xe8: {  	v0 =	vld.idx.msk [tilespmem:v4+s3+$0x0], $0xffff  }
0xe9: {  	s9 =	simm.s32 $0xCC40;
	v1 =	vld.idx.msk [tilespmem:v6+s3+$0x0], $0xffff  }
0xea: {  	v2 =	vld.idx.msk [tilespmem:v7+s3+$0x0], $0xffff;
	[tilespmem:s9+$0x30] =	vst v9  }
0xeb: {  	s10 =	simm.s32 $0x0;
	s11 =	simm.s32 $0x4C0;
	v4 =	vld.idx.msk [tilespmem:v8+s3+$0x0], $0xffff;
	[tilespmem:s9+$0xFFFFFFD0] =	vst v10  }
.LBB2_10:
0xec: {  	v6 =	vld [tilespmem:s11+$0x30];
	s10 =	sadd.s32 $0x80, s10;
	[tilespmem:s9+$0xFFFFFFE0] =	vst v5  }
0xed: {  	v5 =	vld [tilespmem:s11+$0xFFFFFFD0];
	p0 =	slt.u32 s10, $0x3180;
	[tilespmem:s9+$0xFFFFFFF0] =	vst v3  }
0xee: {  	v3 =	vld [tilespmem:s11+$0xFFFFFFE0];
	[tilespmem:s9+$0x0] =	vst v0  }
0xef: {  	v0 =	vld [tilespmem:s11+$0xFFFFFFF0];
	[tilespmem:s9+$0x10] =	vst v1  }
0xf0: {  	v1 =	vld [tilespmem:s11+$0x0];
	[tilespmem:s9+$0x20] =	vst v2  }
0xf1: {  	v2 =	vld [tilespmem:s11+$0x10];
	[tilespmem:s9+$0xFFFFFFC0] =	vst v4  }
0xf2: {  	v4 =	vld [tilespmem:s11+$0x20]  }
0xf3: {  	v7 =	vld [tilespmem:s11+$0xFFFFFFC0]  }
0xf4: {  	v6 =	vld.idx.msk [tilespmem:v6+s3+$0x0], $0xffff  }
0xf5: {  	v8 =	vld.idx.msk [tilespmem:v5+s3+$0x0], $0xffff  }
0xf6: {  	v5 =	vld.idx.msk [tilespmem:v3+s3+$0x0], $0xffff  }
.Ltmp4:
0xf7: {  	v3 =	vld.idx.msk [tilespmem:v0+s3+$0x0], $0xffff;
	(pc) =	sbr.rel @p0 .LBB2_10-.Ltmp4, $4  }
0xf8: {  	v0 =	vld.idx.msk [tilespmem:v1+s3+$0x0], $0xffff  }
0xf9: {  	s9 =	sadd.s32 $0x80, s9;
	v1 =	vld.idx.msk [tilespmem:v2+s3+$0x0], $0xffff  }
0xfa: {  	v2 =	vld.idx.msk [tilespmem:v4+s3+$0x0], $0xffff;
	[tilespmem:s9+$0x30] =	vst v6  }
0xfb: {  	s11 =	sadd.s32 $0x80, s11;
	v4 =	vld.idx.msk [tilespmem:v7+s3+$0x0], $0xffff;
	[tilespmem:s9+$0xFFFFFFD0] =	vst v8  }
0xfc: {  	[tilespmem:s9+$0xFFFFFFE0] =	vst v5  }
0xfd: {  	[tilespmem:s9+$0xFFFFFFF0] =	vst v3  }
0xfe: {  	[tilespmem:s9+$0x0] =	vst v0  }
0xff: {  	[tilespmem:s9+$0x10] =	vst v1  }
0x100: {  	[tilespmem:s9+$0x20] =	vst v2  }
0x101: {  	[tilespmem:s9+$0xFFFFFFC0] =	vst v4  }
0x102: {  	[hbm4b:s16+s3] =	stream.linear.scatter [tilespmem:s28], [sflag:$0x5], $0x3200, $0x38;
	[tilespmem:$0x19400] =	vst v63  }
0x103: {  	_ =	swait.ge [sflag:s29], $0x3200  }
0x104: {  	[sflag:s29] =	ssyncset.done $0x0  }
0x105: {  	[sflag:s29] =	ssyncadd.s32 $0xFFFFCE00  }
0x106: {  	_ =	swait.ge [sflag:s5], $0x3200  }
0x107: {  	[sflag:s5] =	ssyncset.done $0x0  }
0x108: {  	s11 =	simm.s32 $0x3640;
	[sflag:s5] =	ssyncadd.s32 $0xFFFFCE00  }
0x109: {  	v0 =	vld [tilespmem:s11+$0x30]  }
0x10a: {  	v1 =	vld [tilespmem:s11+$0xFFFFFFD0]  }
0x10b: {  	v2 =	vld [tilespmem:s11+$0xFFFFFFE0]  }
0x10c: {  	v3 =	vld [tilespmem:s11+$0xFFFFFFF0]  }
0x10d: {  	v4 =	vld [tilespmem:s11+$0x0]  }
0x10e: {  	v6 =	vld [tilespmem:s11+$0x10]  }
0x10f: {  	v7 =	vld [tilespmem:s11+$0x20]  }
0x110: {  	v8 =	vld [tilespmem:s11+$0xFFFFFFC0]  }
0x111: {  	v9 =	vld.idx.msk [tilespmem:v0+s3+$0x0], $0xffff  }
0x112: {  	v10 =	vld.idx.msk [tilespmem:v1+s3+$0x0], $0xffff  }
0x113: {  	v5 =	vld.idx.msk [tilespmem:v2+s3+$0x0], $0xffff  }
0x114: {  	v3 =	vld.idx.msk [tilespmem:v3+s3+$0x0], $0xffff  }
0x115: {  	v0 =	vld.idx.msk [tilespmem:v4+s3+$0x0], $0xffff  }
0x116: {  	s9 =	simm.s32 $0xFE40;
	v1 =	vld.idx.msk [tilespmem:v6+s3+$0x0], $0xffff  }
0x117: {  	v2 =	vld.idx.msk [tilespmem:v7+s3+$0x0], $0xffff;
	[tilespmem:s9+$0x30] =	vst v9  }
0x118: {  	s10 =	simm.s32 $0x0;
	s11 =	simm.s32 $0x36C0;
	v4 =	vld.idx.msk [tilespmem:v8+s3+$0x0], $0xffff;
	[tilespmem:s9+$0xFFFFFFD0] =	vst v10  }
.LBB2_12:
0x119: {  	v6 =	vld [tilespmem:s11+$0x30];
	s10 =	sadd.s32 $0x80, s10;
	[tilespmem:s9+$0xFFFFFFE0] =	vst v5  }
0x11a: {  	v5 =	vld [tilespmem:s11+$0xFFFFFFD0];
	p0 =	slt.u32 s10, $0x3180;
	[tilespmem:s9+$0xFFFFFFF0] =	vst v3  }
0x11b: {  	v3 =	vld [tilespmem:s11+$0xFFFFFFE0];
	[tilespmem:s9+$0x0] =	vst v0  }
0x11c: {  	v0 =	vld [tilespmem:s11+$0xFFFFFFF0];
	[tilespmem:s9+$0x10] =	vst v1  }
0x11d: {  	v1 =	vld [tilespmem:s11+$0x0];
	[tilespmem:s9+$0x20] =	vst v2  }
0x11e: {  	v2 =	vld [tilespmem:s11+$0x10];
	[tilespmem:s9+$0xFFFFFFC0] =	vst v4  }
0x11f: {  	v4 =	vld [tilespmem:s11+$0x20]  }
0x120: {  	v7 =	vld [tilespmem:s11+$0xFFFFFFC0]  }
0x121: {  	v6 =	vld.idx.msk [tilespmem:v6+s3+$0x0], $0xffff  }
0x122: {  	v8 =	vld.idx.msk [tilespmem:v5+s3+$0x0], $0xffff  }
0x123: {  	v5 =	vld.idx.msk [tilespmem:v3+s3+$0x0], $0xffff  }
.Ltmp5:
0x124: {  	v3 =	vld.idx.msk [tilespmem:v0+s3+$0x0], $0xffff;
	(pc) =	sbr.rel @p0 .LBB2_12-.Ltmp5, $4  }
0x125: {  	v0 =	vld.idx.msk [tilespmem:v1+s3+$0x0], $0xffff  }
0x126: {  	s9 =	sadd.s32 $0x80, s9;
	v1 =	vld.idx.msk [tilespmem:v2+s3+$0x0], $0xffff  }
0x127: {  	v2 =	vld.idx.msk [tilespmem:v4+s3+$0x0], $0xffff;
	[tilespmem:s9+$0x30] =	vst v6  }
0x128: {  	s11 =	sadd.s32 $0x80, s11;
	v4 =	vld.idx.msk [tilespmem:v7+s3+$0x0], $0xffff;
	[tilespmem:s9+$0xFFFFFFD0] =	vst v8  }
0x129: {  	[tilespmem:s9+$0xFFFFFFE0] =	vst v5  }
0x12a: {  	[tilespmem:s9+$0xFFFFFFF0] =	vst v3  }
0x12b: {  	[tilespmem:s9+$0x0] =	vst v0  }
0x12c: {  	[tilespmem:s9+$0x10] =	vst v1  }
0x12d: {  	[tilespmem:s9+$0x20] =	vst v2  }
0x12e: {  	[tilespmem:s9+$0xFFFFFFC0] =	vst v4  }
0x12f: {  	[hbm4b:s17+s3] =	stream.linear.scatter [tilespmem:s30], [sflag:$0x6], $0x3200, $0x38;
	[tilespmem:$0x19400] =	vst v63  }
0x130: {  	_ =	swait.ge [sflag:s31], $0x3200  }
0x131: {  	[sflag:s31] =	ssyncset.done $0x0  }
0x132: {  	[sflag:s31] =	ssyncadd.s32 $0xFFFFCE00  }
0x133: {  	_ =	swait.ge [sflag:s6], $0x3200  }
0x134: {  	[sflag:s6] =	ssyncset.done $0x0  }
0x135: {  	s11 =	simm.s32 $0x6840;
	[sflag:s6] =	ssyncadd.s32 $0xFFFFCE00  }
0x136: {  	v0 =	vld [tilespmem:s11+$0x30]  }
0x137: {  	v1 =	vld [tilespmem:s11+$0xFFFFFFD0]  }
0x138: {  	v2 =	vld [tilespmem:s11+$0xFFFFFFE0]  }
0x139: {  	v3 =	vld [tilespmem:s11+$0xFFFFFFF0]  }
0x13a: {  	v4 =	vld [tilespmem:s11+$0x0]  }
0x13b: {  	v6 =	vld [tilespmem:s11+$0x10]  }
0x13c: {  	v7 =	vld [tilespmem:s11+$0x20]  }
0x13d: {  	v8 =	vld [tilespmem:s11+$0xFFFFFFC0]  }
0x13e: {  	v9 =	vld.idx.msk [tilespmem:v0+s3+$0x0], $0xffff  }
0x13f: {  	v10 =	vld.idx.msk [tilespmem:v1+s3+$0x0], $0xffff  }
0x140: {  	v5 =	vld.idx.msk [tilespmem:v2+s3+$0x0], $0xffff  }
0x141: {  	v3 =	vld.idx.msk [tilespmem:v3+s3+$0x0], $0xffff  }
0x142: {  	v0 =	vld.idx.msk [tilespmem:v4+s3+$0x0], $0xffff  }
0x143: {  	s9 =	simm.s32 $0x13040;
	v1 =	vld.idx.msk [tilespmem:v6+s3+$0x0], $0xffff  }
0x144: {  	v2 =	vld.idx.msk [tilespmem:v7+s3+$0x0], $0xffff;
	[tilespmem:s9+$0x30] =	vst v9  }
0x145: {  	s10 =	simm.s32 $0x0;
	s11 =	simm.s32 $0x68C0;
	v4 =	vld.idx.msk [tilespmem:v8+s3+$0x0], $0xffff;
	[tilespmem:s9+$0xFFFFFFD0] =	vst v10  }
.LBB2_14:
0x146: {  	v6 =	vld [tilespmem:s11+$0x30];
	s10 =	sadd.s32 $0x80, s10;
	[tilespmem:s9+$0xFFFFFFE0] =	vst v5  }
0x147: {  	v5 =	vld [tilespmem:s11+$0xFFFFFFD0];
	p0 =	slt.u32 s10, $0x3180;
	[tilespmem:s9+$0xFFFFFFF0] =	vst v3  }
0x148: {  	v3 =	vld [tilespmem:s11+$0xFFFFFFE0];
	[tilespmem:s9+$0x0] =	vst v0  }
0x149: {  	v0 =	vld [tilespmem:s11+$0xFFFFFFF0];
	[tilespmem:s9+$0x10] =	vst v1  }
0x14a: {  	v1 =	vld [tilespmem:s11+$0x0];
	[tilespmem:s9+$0x20] =	vst v2  }
0x14b: {  	v2 =	vld [tilespmem:s11+$0x10];
	[tilespmem:s9+$0xFFFFFFC0] =	vst v4  }
0x14c: {  	v4 =	vld [tilespmem:s11+$0x20]  }
0x14d: {  	v7 =	vld [tilespmem:s11+$0xFFFFFFC0]  }
0x14e: {  	v6 =	vld.idx.msk [tilespmem:v6+s3+$0x0], $0xffff  }
0x14f: {  	v8 =	vld.idx.msk [tilespmem:v5+s3+$0x0], $0xffff  }
0x150: {  	v5 =	vld.idx.msk [tilespmem:v3+s3+$0x0], $0xffff  }
.Ltmp6:
0x151: {  	v3 =	vld.idx.msk [tilespmem:v0+s3+$0x0], $0xffff;
	(pc) =	sbr.rel @p0 .LBB2_14-.Ltmp6, $4  }
0x152: {  	v0 =	vld.idx.msk [tilespmem:v1+s3+$0x0], $0xffff  }
0x153: {  	s9 =	sadd.s32 $0x80, s9;
	v1 =	vld.idx.msk [tilespmem:v2+s3+$0x0], $0xffff  }
0x154: {  	v2 =	vld.idx.msk [tilespmem:v4+s3+$0x0], $0xffff;
	[tilespmem:s9+$0x30] =	vst v6  }
0x155: {  	s11 =	sadd.s32 $0x80, s11;
	v4 =	vld.idx.msk [tilespmem:v7+s3+$0x0], $0xffff;
	[tilespmem:s9+$0xFFFFFFD0] =	vst v8  }
0x156: {  	[tilespmem:s9+$0xFFFFFFE0] =	vst v5  }
0x157: {  	[tilespmem:s9+$0xFFFFFFF0] =	vst v3  }
0x158: {  	[tilespmem:s9+$0x0] =	vst v0  }
0x159: {  	[tilespmem:s9+$0x10] =	vst v1  }
0x15a: {  	[tilespmem:s9+$0x20] =	vst v2  }
0x15b: {  	[tilespmem:s9+$0xFFFFFFC0] =	vst v4  }
0x15c: {  	[hbm4b:s18+s3] =	stream.linear.scatter [tilespmem:s2], [sflag:$0x7], $0x3200, $0x38;
	[tilespmem:$0x19400] =	vst v63  }
0x15d: {  	_ =	swait.ge [sflag:s0], $0x3200  }
0x15e: {  	[sflag:s0] =	ssyncset.done $0x0  }
0x15f: {  	[sflag:s0] =	ssyncadd.s32 $0xFFFFCE00  }
0x160: {  	_ =	swait.ge [sflag:s7], $0x3200  }
0x161: {  	[sflag:s7] =	ssyncset.done $0x0  }
0x162: {  	s11 =	simm.s32 $0x9A40;
	[sflag:s7] =	ssyncadd.s32 $0xFFFFCE00  }
0x163: {  	v0 =	vld [tilespmem:s11+$0x30]  }
0x164: {  	v1 =	vld [tilespmem:s11+$0xFFFFFFD0]  }
0x165: {  	v2 =	vld [tilespmem:s11+$0xFFFFFFE0]  }
0x166: {  	v3 =	vld [tilespmem:s11+$0xFFFFFFF0]  }
0x167: {  	v4 =	vld [tilespmem:s11+$0x0]  }
0x168: {  	v6 =	vld [tilespmem:s11+$0x10]  }
0x169: {  	v7 =	vld [tilespmem:s11+$0x20]  }
0x16a: {  	v8 =	vld [tilespmem:s11+$0xFFFFFFC0]  }
0x16b: {  	v9 =	vld.idx.msk [tilespmem:v0+s3+$0x0], $0xffff  }
0x16c: {  	v10 =	vld.idx.msk [tilespmem:v1+s3+$0x0], $0xffff  }
0x16d: {  	v5 =	vld.idx.msk [tilespmem:v2+s3+$0x0], $0xffff  }
0x16e: {  	v3 =	vld.idx.msk [tilespmem:v3+s3+$0x0], $0xffff  }
0x16f: {  	v0 =	vld.idx.msk [tilespmem:v4+s3+$0x0], $0xffff  }
0x170: {  	s9 =	simm.s32 $0x16240;
	v1 =	vld.idx.msk [tilespmem:v6+s3+$0x0], $0xffff  }
0x171: {  	v2 =	vld.idx.msk [tilespmem:v7+s3+$0x0], $0xffff;
	[tilespmem:s9+$0x30] =	vst v9  }
0x172: {  	s10 =	simm.s32 $0x0;
	s11 =	simm.s32 $0x9AC0;
	v4 =	vld.idx.msk [tilespmem:v8+s3+$0x0], $0xffff;
	[tilespmem:s9+$0xFFFFFFD0] =	vst v10  }
.LBB2_16:
0x173: {  	v6 =	vld [tilespmem:s11+$0x30];
	s10 =	sadd.s32 $0x80, s10;
	[tilespmem:s9+$0xFFFFFFE0] =	vst v5  }
0x174: {  	v5 =	vld [tilespmem:s11+$0xFFFFFFD0];
	p0 =	slt.u32 s10, $0x3180;
	[tilespmem:s9+$0xFFFFFFF0] =	vst v3  }
0x175: {  	v3 =	vld [tilespmem:s11+$0xFFFFFFE0];
	[tilespmem:s9+$0x0] =	vst v0  }
0x176: {  	v0 =	vld [tilespmem:s11+$0xFFFFFFF0];
	[tilespmem:s9+$0x10] =	vst v1  }
0x177: {  	v1 =	vld [tilespmem:s11+$0x0];
	[tilespmem:s9+$0x20] =	vst v2  }
0x178: {  	v2 =	vld [tilespmem:s11+$0x10];
	[tilespmem:s9+$0xFFFFFFC0] =	vst v4  }
0x179: {  	v4 =	vld [tilespmem:s11+$0x20]  }
0x17a: {  	v7 =	vld [tilespmem:s11+$0xFFFFFFC0]  }
0x17b: {  	v6 =	vld.idx.msk [tilespmem:v6+s3+$0x0], $0xffff  }
0x17c: {  	v8 =	vld.idx.msk [tilespmem:v5+s3+$0x0], $0xffff  }
0x17d: {  	v5 =	vld.idx.msk [tilespmem:v3+s3+$0x0], $0xffff  }
.Ltmp7:
0x17e: {  	v3 =	vld.idx.msk [tilespmem:v0+s3+$0x0], $0xffff;
	(pc) =	sbr.rel @p0 .LBB2_16-.Ltmp7, $4  }
0x17f: {  	v0 =	vld.idx.msk [tilespmem:v1+s3+$0x0], $0xffff  }
0x180: {  	s9 =	sadd.s32 $0x80, s9;
	v1 =	vld.idx.msk [tilespmem:v2+s3+$0x0], $0xffff  }
0x181: {  	v2 =	vld.idx.msk [tilespmem:v4+s3+$0x0], $0xffff;
	[tilespmem:s9+$0x30] =	vst v6  }
0x182: {  	s11 =	sadd.s32 $0x80, s11;
	v4 =	vld.idx.msk [tilespmem:v7+s3+$0x0], $0xffff;
	[tilespmem:s9+$0xFFFFFFD0] =	vst v8  }
0x183: {  	[tilespmem:s9+$0xFFFFFFE0] =	vst v5  }
0x184: {  	[tilespmem:s9+$0xFFFFFFF0] =	vst v3  }
0x185: {  	[tilespmem:s9+$0x0] =	vst v0  }
0x186: {  	[tilespmem:s9+$0x10] =	vst v1  }
0x187: {  	[tilespmem:s9+$0x20] =	vst v2  }
0x188: {  	[tilespmem:s9+$0xFFFFFFC0] =	vst v4  }
0x189: {  	[hbm4b:s19+s3] =	stream.linear.scatter [tilespmem:s1], [sflag:$0x8], $0x3200, $0x38;
	[tilespmem:$0x19400] =	vst v63  }
0x18a: {  	_ =	swait.ge [sflag:s4], $0x3200  }
0x18b: {  	[sflag:s4] =	ssyncset.done $0x0  }
0x18c: {  	[sflag:s4] =	ssyncadd.s32 $0xFFFFCE00  }
0x18d: {  	_ =	swait.ge [sflag:s5], $0x3200  }
0x18e: {  	[sflag:s5] =	ssyncset.done $0x0  }
0x18f: {  	s8 =	sadd.s32 $0x1, s8;
	[sflag:s5] =	ssyncadd.s32 $0xFFFFCE00  }
0x190: {  	p0 =	sne.s32 s8, s20;
	_ =	swait.ge [sflag:s6], $0x3200  }
.Ltmp8:
0x191: {  	[sflag:s6] =	ssyncset.done $0x0;
	(pc) =	sbr.rel @p0 .LBB2_1-.Ltmp8, $4  }
0x192: {  	[sflag:s6] =	ssyncadd.s32 $0xFFFFCE00  }
0x193: {  	_ =	swait.ge [sflag:s7], $0x3200  }
0x194: {  	[sflag:s7] =	ssyncset.done $0x0  }
0x195: {  	[sflag:s7] =	ssyncadd.s32 $0xFFFFCE00  }
0x196: {  	_ =	sfence.sel $0x180000  }
0x197: {  	[bflag:$0x0] =	sbarrier.arrive $0xFFFF  }
0x198: {  	_ =	strace $0x90000047  }
0x199: {  	s0 =	stileid.u32;
	[bflag:$0x2] =	sbarrier.arrive $0xFFFF  }
0x19a: {  	p0 =	sne.s32 s0, $0x0;
	s0 =	rddreg [dreg:$0x3]  }
0x19b: {  	s0 =	sadd.s32 @!p0 $0x100000, s0  }
0x19c: {  	[sflag:s0] =	ssyncadd.tile.s32 @!p0 $0x1;
	_ =	shalt  }
.Lfunc_end2:
_tile_overlayer_lowered:
.L_overlay_start_2:
0x19d: {  	(tag) =	ssettag $0x2  }
0x19e: {  	s0 =	rddreg [dreg:$0x0];
	s2 =	stileid.u32  }
0x19f: {  	s1 =	rddreg [dreg:$0x1];
	p0 =	sne.s32 s2, $0x0  }
0x1a0: {  	s3 =	rddreg [dreg:$0x2];
	[bflag:$0x3] =	sbarrier.arrive $0xFFFF;
	s2 =	simm.s32 @!p0 $0x1C09  }
0x1a1: {  	[timem:s3], [sflag:s2] =	dma.local @!p0 [hbm:s0], s1  }
0x1a2: {  	s0 =	simm.s32 @!p0 $0x9  }
0x1a3: {  	_ =	swait.ge @!p0 [sflag:s0], s1  }
0x1a4: {  	s1 =	ssub.s32 @!p0 $0x0, s1;
	[sflag:s0] =	ssyncset.done @!p0 $0x0  }
0x1a5: {  	[sflag:s0] =	ssyncadd.s32 @!p0 s1  }
0x1a6: {  	[bflag:$0x3] =	sbarrier.arrive $0xFFFF  }
0x1a7: {  	_ =	shalt  }

</sc_bundles>
